<compile_context>
chip_gen: v7x
topology: tpu7x:2x2x1
jax: 0.10.2.dev20260603
libtpu: 0.0.44.dev20260713+nightly
codegen_flags: <defaults>
</compile_context>

<pallas_src>
import functools

import jax
import jax.numpy as jnp
from jax import lax
from jax.experimental import pallas as pl
from jax.experimental.pallas import tpu as pltpu
from jax.experimental.pallas import tpu_sc as plsc

_B, _T, _D = 4, 2048, 768
_NC, _NS = 2, 16
_NW = _NC * _NS
_POS_PER_W = _T // _NW
_CHUNK = 32
_SUB = _POS_PER_W // _CHUNK
_NCHUNK = _B * _SUB
_LANES = 16
_HALF = _CHUNK // 2


def _make_embed_kernel():
    mesh = plsc.VectorSubcoreMesh(core_axis_name="c", subcore_axis_name="s")

    @functools.partial(
        pl.kernel,
        out_type=jax.ShapeDtypeStruct((_B, _T, _D), jnp.float32),
        mesh=mesh,
        scratch_types=[
            pltpu.VMEM((_POS_PER_W, _D), jnp.float32),
            pltpu.VMEM((_B, _POS_PER_W), jnp.int32),
            pltpu.VMEM((_CHUNK, _D), jnp.float32),
            pltpu.VMEM((_CHUNK, _D), jnp.float32),
            pltpu.SemaphoreType.DMA,
            pltpu.SemaphoreType.DMA,
            pltpu.SemaphoreType.DMA,
            pltpu.SemaphoreType.DMA,
            pltpu.SemaphoreType.DMA,
            pltpu.SemaphoreType.DMA,
            pltpu.SemaphoreType.DMA,
            pltpu.SemaphoreType.DMA,
            pltpu.SemaphoreType.DMA,
        ],
    )
    def embed(idx_hbm, tok_hbm, pos_hbm, out_hbm,
              pos_v, idx_v, rows0, rows1,
              sem_pos, sem_idx0, sem_idx,
              sem_g0lo, sem_g0hi, sem_g1lo, sem_g1hi, sem_o0, sem_o1):
        wid = lax.axis_index("s") * _NC + lax.axis_index("c")
        p0 = wid * _POS_PER_W
        rows = (rows0, rows1)
        sem_g = ((sem_g0lo, sem_g0hi), (sem_g1lo, sem_g1hi))
        sem_o = (sem_o0, sem_o1)

        pos_cp = pltpu.async_copy(pos_hbm.at[pl.ds(p0, _POS_PER_W)],
                                  pos_v, sem_pos)

        idx_cps = [
            pltpu.async_copy(idx_hbm.at[b, pl.ds(p0, _POS_PER_W)],
                             idx_v.at[b], sem_idx0 if b == 0 else sem_idx)
            for b in range(_B)
        ]

        def gather_half(b, s, buf, h):
            h0 = h * _HALF
            return pltpu.make_async_copy(
                tok_hbm.at[idx_v.at[b, pl.ds(s * _CHUNK + h0, _HALF)]],
                rows[buf].at[pl.ds(h0, _HALF)], sem_g[buf][h])

        def gather_start(b, s, buf):
            gather_half(b, s, buf, 0).start()
            gather_half(b, s, buf, 1).start()

        def out_half(b, buf, h0):
            return pltpu.make_async_copy(
                rows[buf].at[pl.ds(h0, _HALF)],
                out_hbm.at[b, pl.ds(p0 + buf * _CHUNK + h0, _HALF)],
                sem_o[buf])

        def drain_out(b, buf):
            pltpu.make_async_copy(
                rows[buf],
                out_hbm.at[b, pl.ds(p0 + buf * _CHUNK, _CHUNK)],
                sem_o[buf]).wait()

        def add_half(buf, h0):
            pos_base = buf * _CHUNK

            @plsc.parallel_loop(h0, h0 + _HALF, unroll=2)
            def _row(r):
                @plsc.parallel_loop(0, _D, step=_LANES, unroll=8)
                def _col(c):
                    plsc.addupdate(rows[buf].at[r, pl.ds(c, _LANES)],
                                   pos_v[pos_base + r, pl.ds(c, _LANES)])

        def add_and_out(b, s, buf, between=None):
            gather_half(b, s, buf, 0).wait()
            add_half(buf, 0)
            out_half(b, buf, 0).start()
            if between is not None:
                between()
            gather_half(b, s, buf, 1).wait()
            add_half(buf, _HALF)
            out_half(b, buf, _HALF).start()

        idx_cps[0].wait()
        gather_start(0, 0, 0)
        for cp in idx_cps[1:]:
            cp.wait()
        pos_cp.wait()

        @pl.loop(0, _B)
        def _batch(j):
            @pl.when(j > 0)
            def _():
                drain_out(j - 1, 1)
            gather_start(j, 1, 1)
            add_and_out(j, 0, 0)

            def _refill_buf0():
                @pl.when(j + 1 < _B)
                def _():
                    drain_out(j, 0)
                    gather_start(j + 1, 0, 0)

            add_and_out(j, 1, 1, between=_refill_buf0)

        drain_out(_B - 1, 0)
        drain_out(_B - 1, 1)

    return embed


_embed = _make_embed_kernel()


@jax.jit
def kernel(idx, tok_table, pos_table):
    return _embed(idx.astype(jnp.int32), tok_table, pos_table)

# --- scband reference (transcript-rebuilt; emitter-appended) ---
"""Pipeline reference for scband-token-position-embedding-197568496194 (READ-ONLY COPY).

The authoritative reference and input builder live on the scoring server;
editing this copy changes nothing except your own understanding.
"""

import jax, jax.numpy as jnp
import numpy as np

VOCAB = 100000
MAX_SEQ = 8192
D_MODEL = 768
B, T = 4, 2048


def setup_inputs(seed: int = 0) -> dict:
    key = jax.random.key(seed)
    k1, k2, k3 = jax.random.split(key, 3)
    idx = jax.random.randint(k1, (B, T), 0, VOCAB, dtype=jnp.int64 if jax.config.jax_enable_x64 else jnp.int32)
    tok_table = jax.random.normal(k2, (VOCAB, D_MODEL), dtype=jnp.float32) * 0.02
    pos_table = jax.random.normal(k3, (MAX_SEQ, D_MODEL), dtype=jnp.float32) * 0.02
    return {"idx": idx, "tok_table": tok_table, "pos_table": pos_table}


def reference(idx, tok_table, pos_table):
    # token embedding: gather rows of tok_table
    tok = jnp.take(tok_table, idx, axis=0)              # [B, T, D]
    T_ = idx.shape[1]
    pos_ids = jnp.arange(T_)
    pos = jnp.take(pos_table, pos_ids, axis=0)          # [T, D]
    x = tok + pos[None, :, :]
    # dropout p=0.0 -> identity (eval semantics)
    return x

if __name__ == "__main__":
    import jax
    _d = setup_inputs()
    print(jax.jit(kernel)(*tuple(_d.values())))

</pallas_src>

<mosaic_0001>
#map = affine_map<(d0, d1) -> (0, 0)>
#map1 = affine_map<(d0, d1) -> (0, 0, 0)>
module attributes {stable_mosaic.version = 14 : i64} {
  func.func @embed(%arg0: i32, %arg1: i32, %arg2: memref<4x2048xi32, #tpu.memory_space<hbm>>, %arg3: memref<100000x768xf32, #tpu.memory_space<hbm>>, %arg4: memref<8192x768xf32, #tpu.memory_space<hbm>>, %arg5: memref<4x2048x768xf32, #tpu.memory_space<hbm>>, %arg6: memref<64x768xf32, #tpu.memory_space<vmem>>, %arg7: memref<4x64xi32, #tpu.memory_space<vmem>>, %arg8: memref<32x768xf32, #tpu.memory_space<vmem>>, %arg9: memref<32x768xf32, #tpu.memory_space<vmem>>, %arg10: memref<!tpu.dma_semaphore, #tpu.memory_space<semaphore_mem>>, %arg11: memref<!tpu.dma_semaphore, #tpu.memory_space<semaphore_mem>>, %arg12: memref<!tpu.dma_semaphore, #tpu.memory_space<semaphore_mem>>, %arg13: memref<!tpu.dma_semaphore, #tpu.memory_space<semaphore_mem>>, %arg14: memref<!tpu.dma_semaphore, #tpu.memory_space<semaphore_mem>>, %arg15: memref<!tpu.dma_semaphore, #tpu.memory_space<semaphore_mem>>, %arg16: memref<!tpu.dma_semaphore, #tpu.memory_space<semaphore_mem>>, %arg17: memref<!tpu.dma_semaphore, #tpu.memory_space<semaphore_mem>>, %arg18: memref<!tpu.dma_semaphore, #tpu.memory_space<semaphore_mem>>) attributes {dimension_semantics = [#tpu.dimension_semantics<core_parallel>, #tpu.dimension_semantics<subcore_parallel>], iteration_bounds = array<i64: 2, 16>, scalar_prefetch = 0 : i64, scratch_operands = 13 : i64, tpu.core_type = #tpu.core_type<sc_vector_subcore>, window_params = [{transform_indices = #map}, {transform_indices = #map}, {transform_indices = #map}, {transform_indices = #map1}]} {
    %mul3A = arith.constant 2 : i32
    %mul3A_0 = arith.muli %arg1, %mul3A : i32
    %add3A = arith.addi %mul3A_0, %arg0 : i32
    %mul3A_1 = arith.constant 64 : i32
    %mul3A_2 = arith.muli %add3A, %mul3A_1 : i32
    %dma_start3A = arith.constant 0 : i32
    %dma_start3A_3 = tpu.memref_slice %arg4[%mul3A_2, %dma_start3A] : memref<8192x768xf32, #tpu.memory_space<hbm>> -> memref<64x768xf32, #tpu.memory_space<hbm>>
    %dma_start3A_4 = arith.constant 0 : i32
    %dma_start3A_5 = tpu.memref_slice %arg4[%mul3A_2, %dma_start3A_4] : memref<8192x768xf32, #tpu.memory_space<hbm>> -> memref<64x768xf32, #tpu.memory_space<hbm>>
    tpu.enqueue_dma source(%dma_start3A_5 : memref<64x768xf32, #tpu.memory_space<hbm>>) target(%arg6 : memref<64x768xf32, #tpu.memory_space<vmem>>) target_semaphore(%arg10 : memref<!tpu.dma_semaphore, #tpu.memory_space<semaphore_mem>>)
    %dma_start3A_6 = arith.constant 0 : i32
    %dma_start3A_7 = arith.constant 0 : i32
    %dma_start3A_8 = arith.constant 0 : i32
    %dma_start3A_9 = tpu.memref_slice %arg7[%dma_start3A_7, %dma_start3A_8] : memref<4x64xi32, #tpu.memory_space<vmem>> -> memref<1x64xi32, #tpu.memory_space<vmem>>
    %dma_start3A_10 = tpu.memref_squeeze %dma_start3A_9 : memref<1x64xi32, #tpu.memory_space<vmem>> -> memref<64xi32, #tpu.memory_space<vmem>>
    %dma_start3A_11 = tpu.memref_slice %arg2[%dma_start3A_6, %mul3A_2] : memref<4x2048xi32, #tpu.memory_space<hbm>> -> memref<1x64xi32, #tpu.memory_space<hbm>>
    %dma_start3A_12 = tpu.memref_squeeze %dma_start3A_11 : memref<1x64xi32, #tpu.memory_space<hbm>> -> memref<64xi32, #tpu.memory_space<hbm>>
    %dma_start3A_13 = arith.constant 0 : i32
    %dma_start3A_14 = tpu.memref_slice %arg7[%dma_start3A_7, %dma_start3A_13] : memref<4x64xi32, #tpu.memory_space<vmem>> -> memref<1x64xi32, #tpu.memory_space<vmem>>
    %dma_start3A_15 = tpu.memref_squeeze %dma_start3A_14 : memref<1x64xi32, #tpu.memory_space<vmem>> -> memref<64xi32, #tpu.memory_space<vmem>>
    %dma_start3A_16 = tpu.memref_slice %arg2[%dma_start3A_6, %mul3A_2] : memref<4x2048xi32, #tpu.memory_space<hbm>> -> memref<1x64xi32, #tpu.memory_space<hbm>>
    %dma_start3A_17 = tpu.memref_squeeze %dma_start3A_16 : memref<1x64xi32, #tpu.memory_space<hbm>> -> memref<64xi32, #tpu.memory_space<hbm>>
    tpu.enqueue_dma source(%dma_start3A_17 : memref<64xi32, #tpu.memory_space<hbm>>) target(%dma_start3A_15 : memref<64xi32, #tpu.memory_space<vmem>>) target_semaphore(%arg11 : memref<!tpu.dma_semaphore, #tpu.memory_space<semaphore_mem>>)
    %dma_start3A_18 = arith.constant 1 : i32
    %dma_start3A_19 = arith.constant 1 : i32
    %dma_start3A_20 = arith.constant 0 : i32
    %dma_start3A_21 = tpu.memref_slice %arg7[%dma_start3A_19, %dma_start3A_20] : memref<4x64xi32, #tpu.memory_space<vmem>> -> memref<1x64xi32, #tpu.memory_space<vmem>>
    %dma_start3A_22 = tpu.memref_squeeze %dma_start3A_21 : memref<1x64xi32, #tpu.memory_space<vmem>> -> memref<64xi32, #tpu.memory_space<vmem>>
    %dma_start3A_23 = tpu.memref_slice %arg2[%dma_start3A_18, %mul3A_2] : memref<4x2048xi32, #tpu.memory_space<hbm>> -> memref<1x64xi32, #tpu.memory_space<hbm>>
    %dma_start3A_24 = tpu.memref_squeeze %dma_start3A_23 : memref<1x64xi32, #tpu.memory_space<hbm>> -> memref<64xi32, #tpu.memory_space<hbm>>
    %dma_start3A_25 = arith.constant 0 : i32
    %dma_start3A_26 = tpu.memref_slice %arg7[%dma_start3A_19, %dma_start3A_25] : memref<4x64xi32, #tpu.memory_space<vmem>> -> memref<1x64xi32, #tpu.memory_space<vmem>>
    %dma_start3A_27 = tpu.memref_squeeze %dma_start3A_26 : memref<1x64xi32, #tpu.memory_space<vmem>> -> memref<64xi32, #tpu.memory_space<vmem>>
    %dma_start3A_28 = tpu.memref_slice %arg2[%dma_start3A_18, %mul3A_2] : memref<4x2048xi32, #tpu.memory_space<hbm>> -> memref<1x64xi32, #tpu.memory_space<hbm>>
    %dma_start3A_29 = tpu.memref_squeeze %dma_start3A_28 : memref<1x64xi32, #tpu.memory_space<hbm>> -> memref<64xi32, #tpu.memory_space<hbm>>
    tpu.enqueue_dma source(%dma_start3A_29 : memref<64xi32, #tpu.memory_space<hbm>>) target(%dma_start3A_27 : memref<64xi32, #tpu.memory_space<vmem>>) target_semaphore(%arg12 : memref<!tpu.dma_semaphore, #tpu.memory_space<semaphore_mem>>)
    %dma_start3A_30 = arith.constant 2 : i32
    %dma_start3A_31 = arith.constant 2 : i32
    %dma_start3A_32 = arith.constant 0 : i32
    %dma_start3A_33 = tpu.memref_slice %arg7[%dma_start3A_31, %dma_start3A_32] : memref<4x64xi32, #tpu.memory_space<vmem>> -> memref<1x64xi32, #tpu.memory_space<vmem>>
    %dma_start3A_34 = tpu.memref_squeeze %dma_start3A_33 : memref<1x64xi32, #tpu.memory_space<vmem>> -> memref<64xi32, #tpu.memory_space<vmem>>
    %dma_start3A_35 = tpu.memref_slice %arg2[%dma_start3A_30, %mul3A_2] : memref<4x2048xi32, #tpu.memory_space<hbm>> -> memref<1x64xi32, #tpu.memory_space<hbm>>
    %dma_start3A_36 = tpu.memref_squeeze %dma_start3A_35 : memref<1x64xi32, #tpu.memory_space<hbm>> -> memref<64xi32, #tpu.memory_space<hbm>>
    %dma_start3A_37 = arith.constant 0 : i32
    %dma_start3A_38 = tpu.memref_slice %arg7[%dma_start3A_31, %dma_start3A_37] : memref<4x64xi32, #tpu.memory_space<vmem>> -> memref<1x64xi32, #tpu.memory_space<vmem>>
    %dma_start3A_39 = tpu.memref_squeeze %dma_start3A_38 : memref<1x64xi32, #tpu.memory_space<vmem>> -> memref<64xi32, #tpu.memory_space<vmem>>
    %dma_start3A_40 = tpu.memref_slice %arg2[%dma_start3A_30, %mul3A_2] : memref<4x2048xi32, #tpu.memory_space<hbm>> -> memref<1x64xi32, #tpu.memory_space<hbm>>
    %dma_start3A_41 = tpu.memref_squeeze %dma_start3A_40 : memref<1x64xi32, #tpu.memory_space<hbm>> -> memref<64xi32, #tpu.memory_space<hbm>>
    tpu.enqueue_dma source(%dma_start3A_41 : memref<64xi32, #tpu.memory_space<hbm>>) target(%dma_start3A_39 : memref<64xi32, #tpu.memory_space<vmem>>) target_semaphore(%arg12 : memref<!tpu.dma_semaphore, #tpu.memory_space<semaphore_mem>>)
    %dma_start3A_42 = arith.constant 3 : i32
    %dma_start3A_43 = arith.constant 3 : i32
    %dma_start3A_44 = arith.constant 0 : i32
    %dma_start3A_45 = tpu.memref_slice %arg7[%dma_start3A_43, %dma_start3A_44] : memref<4x64xi32, #tpu.memory_space<vmem>> -> memref<1x64xi32, #tpu.memory_space<vmem>>
    %dma_start3A_46 = tpu.memref_squeeze %dma_start3A_45 : memref<1x64xi32, #tpu.memory_space<vmem>> -> memref<64xi32, #tpu.memory_space<vmem>>
    %dma_start3A_47 = tpu.memref_slice %arg2[%dma_start3A_42, %mul3A_2] : memref<4x2048xi32, #tpu.memory_space<hbm>> -> memref<1x64xi32, #tpu.memory_space<hbm>>
    %dma_start3A_48 = tpu.memref_squeeze %dma_start3A_47 : memref<1x64xi32, #tpu.memory_space<hbm>> -> memref<64xi32, #tpu.memory_space<hbm>>
    %dma_start3A_49 = arith.constant 0 : i32
    %dma_start3A_50 = tpu.memref_slice %arg7[%dma_start3A_43, %dma_start3A_49] : memref<4x64xi32, #tpu.memory_space<vmem>> -> memref<1x64xi32, #tpu.memory_space<vmem>>
    %dma_start3A_51 = tpu.memref_squeeze %dma_start3A_50 : memref<1x64xi32, #tpu.memory_space<vmem>> -> memref<64xi32, #tpu.memory_space<vmem>>
    %dma_start3A_52 = tpu.memref_slice %arg2[%dma_start3A_42, %mul3A_2] : memref<4x2048xi32, #tpu.memory_space<hbm>> -> memref<1x64xi32, #tpu.memory_space<hbm>>
    %dma_start3A_53 = tpu.memref_squeeze %dma_start3A_52 : memref<1x64xi32, #tpu.memory_space<hbm>> -> memref<64xi32, #tpu.memory_space<hbm>>
    tpu.enqueue_dma source(%dma_start3A_53 : memref<64xi32, #tpu.memory_space<hbm>>) target(%dma_start3A_51 : memref<64xi32, #tpu.memory_space<vmem>>) target_semaphore(%arg12 : memref<!tpu.dma_semaphore, #tpu.memory_space<semaphore_mem>>)
    %dma_wait3A = arith.constant 0 : i32
    %dma_wait3A_54 = arith.constant 0 : i32
    %dma_wait3A_55 = arith.constant 0 : i32
    %dma_wait3A_56 = tpu.memref_slice %arg7[%dma_wait3A_54, %dma_wait3A_55] : memref<4x64xi32, #tpu.memory_space<vmem>> -> memref<1x64xi32, #tpu.memory_space<vmem>>
    %dma_wait3A_57 = tpu.memref_squeeze %dma_wait3A_56 : memref<1x64xi32, #tpu.memory_space<vmem>> -> memref<64xi32, #tpu.memory_space<vmem>>
    %dma_wait3A_58 = tpu.memref_slice %arg2[%dma_wait3A, %mul3A_2] : memref<4x2048xi32, #tpu.memory_space<hbm>> -> memref<1x64xi32, #tpu.memory_space<hbm>>
    %dma_wait3A_59 = tpu.memref_squeeze %dma_wait3A_58 : memref<1x64xi32, #tpu.memory_space<hbm>> -> memref<64xi32, #tpu.memory_space<hbm>>
    %dma_wait3A_60 = arith.constant 0 : i32
    %dma_wait3A_61 = tpu.memref_slice %arg7[%dma_wait3A_54, %dma_wait3A_60] : memref<4x64xi32, #tpu.memory_space<vmem>> -> memref<1x64xi32, #tpu.memory_space<vmem>>
    %dma_wait3A_62 = tpu.memref_squeeze %dma_wait3A_61 : memref<1x64xi32, #tpu.memory_space<vmem>> -> memref<64xi32, #tpu.memory_space<vmem>>
    %dma_wait3A_63 = tpu.memref_slice %arg2[%dma_wait3A, %mul3A_2] : memref<4x2048xi32, #tpu.memory_space<hbm>> -> memref<1x64xi32, #tpu.memory_space<hbm>>
    %dma_wait3A_64 = tpu.memref_squeeze %dma_wait3A_63 : memref<1x64xi32, #tpu.memory_space<hbm>> -> memref<64xi32, #tpu.memory_space<hbm>>
    tpu.wait_dma2 semaphore(%arg11 : memref<!tpu.dma_semaphore, #tpu.memory_space<semaphore_mem>>) src(%dma_wait3A_64 : memref<64xi32, #tpu.memory_space<hbm>>) dst(%dma_wait3A_62 : memref<64xi32, #tpu.memory_space<vmem>>)
    %dma_start3A_65 = arith.constant 0 : i32
    %dma_start3A_66 = arith.constant 0 : i32
    %dma_start3A_67 = arith.constant 0 : i32
    %dma_start3A_68 = tpu.memref_slice %arg8[%dma_start3A_66, %dma_start3A_67] : memref<32x768xf32, #tpu.memory_space<vmem>> -> memref<16x768xf32, #tpu.memory_space<vmem>>
    %dma_start3A_69 = arith.constant 0 : i32
    %dma_start3A_70 = tpu.memref_slice %arg7[%dma_start3A_65, %dma_start3A_69] : memref<4x64xi32, #tpu.memory_space<vmem>> -> memref<1x16xi32, #tpu.memory_space<vmem>>
    %dma_start3A_71 = tpu.memref_squeeze %dma_start3A_70 : memref<1x16xi32, #tpu.memory_space<vmem>> -> memref<16xi32, #tpu.memory_space<vmem>>
    %dma_start3A_72 = arith.constant 0 : i32
    %dma_start3A_73 = arith.constant 0 : i32
    %dma_start3A_74 = tpu.memref_slice %arg3[%dma_start3A_72, %dma_start3A_73] : memref<100000x768xf32, #tpu.memory_space<hbm>> -> memref<100000x768xf32, #tpu.memory_space<hbm>>
    tpu.enqueue_indirect_dma source(%dma_start3A_74 : memref<100000x768xf32, #tpu.memory_space<hbm>>) target(%dma_start3A_68 : memref<16x768xf32, #tpu.memory_space<vmem>>) offsets(%dma_start3A_71 : memref<16xi32, #tpu.memory_space<vmem>>) semaphore(%arg13 : memref<!tpu.dma_semaphore, #tpu.memory_space<semaphore_mem>>)
    %dma_start3A_75 = arith.constant 0 : i32
    %dma_start3A_76 = arith.constant 16 : i32
    %dma_start3A_77 = arith.constant 0 : i32
    %dma_start3A_78 = tpu.memref_slice %arg8[%dma_start3A_76, %dma_start3A_77] : memref<32x768xf32, #tpu.memory_space<vmem>> -> memref<16x768xf32, #tpu.memory_space<vmem>>
    %dma_start3A_79 = arith.constant 16 : i32
    %dma_start3A_80 = tpu.memref_slice %arg7[%dma_start3A_75, %dma_start3A_79] : memref<4x64xi32, #tpu.memory_space<vmem>> -> memref<1x16xi32, #tpu.memory_space<vmem>>
    %dma_start3A_81 = tpu.memref_squeeze %dma_start3A_80 : memref<1x16xi32, #tpu.memory_space<vmem>> -> memref<16xi32, #tpu.memory_space<vmem>>
    %dma_start3A_82 = arith.constant 0 : i32
    %dma_start3A_83 = arith.constant 0 : i32
    %dma_start3A_84 = tpu.memref_slice %arg3[%dma_start3A_82, %dma_start3A_83] : memref<100000x768xf32, #tpu.memory_space<hbm>> -> memref<100000x768xf32, #tpu.memory_space<hbm>>
    tpu.enqueue_indirect_dma source(%dma_start3A_84 : memref<100000x768xf32, #tpu.memory_space<hbm>>) target(%dma_start3A_78 : memref<16x768xf32, #tpu.memory_space<vmem>>) offsets(%dma_start3A_81 : memref<16xi32, #tpu.memory_space<vmem>>) semaphore(%arg14 : memref<!tpu.dma_semaphore, #tpu.memory_space<semaphore_mem>>)
    %dma_wait3A_85 = arith.constant 1 : i32
    %dma_wait3A_86 = arith.constant 1 : i32
    %dma_wait3A_87 = arith.constant 0 : i32
    %dma_wait3A_88 = tpu.memref_slice %arg7[%dma_wait3A_86, %dma_wait3A_87] : memref<4x64xi32, #tpu.memory_space<vmem>> -> memref<1x64xi32, #tpu.memory_space<vmem>>
    %dma_wait3A_89 = tpu.memref_squeeze %dma_wait3A_88 : memref<1x64xi32, #tpu.memory_space<vmem>> -> memref<64xi32, #tpu.memory_space<vmem>>
    %dma_wait3A_90 = tpu.memref_slice %arg2[%dma_wait3A_85, %mul3A_2] : memref<4x2048xi32, #tpu.memory_space<hbm>> -> memref<1x64xi32, #tpu.memory_space<hbm>>
    %dma_wait3A_91 = tpu.memref_squeeze %dma_wait3A_90 : memref<1x64xi32, #tpu.memory_space<hbm>> -> memref<64xi32, #tpu.memory_space<hbm>>
    %dma_wait3A_92 = arith.constant 0 : i32
    %dma_wait3A_93 = tpu.memref_slice %arg7[%dma_wait3A_86, %dma_wait3A_92] : memref<4x64xi32, #tpu.memory_space<vmem>> -> memref<1x64xi32, #tpu.memory_space<vmem>>
    %dma_wait3A_94 = tpu.memref_squeeze %dma_wait3A_93 : memref<1x64xi32, #tpu.memory_space<vmem>> -> memref<64xi32, #tpu.memory_space<vmem>>
    %dma_wait3A_95 = tpu.memref_slice %arg2[%dma_wait3A_85, %mul3A_2] : memref<4x2048xi32, #tpu.memory_space<hbm>> -> memref<1x64xi32, #tpu.memory_space<hbm>>
    %dma_wait3A_96 = tpu.memref_squeeze %dma_wait3A_95 : memref<1x64xi32, #tpu.memory_space<hbm>> -> memref<64xi32, #tpu.memory_space<hbm>>
    tpu.wait_dma2 semaphore(%arg12 : memref<!tpu.dma_semaphore, #tpu.memory_space<semaphore_mem>>) src(%dma_wait3A_96 : memref<64xi32, #tpu.memory_space<hbm>>) dst(%dma_wait3A_94 : memref<64xi32, #tpu.memory_space<vmem>>)
    %dma_wait3A_97 = arith.constant 2 : i32
    %dma_wait3A_98 = arith.constant 2 : i32
    %dma_wait3A_99 = arith.constant 0 : i32
    %dma_wait3A_100 = tpu.memref_slice %arg7[%dma_wait3A_98, %dma_wait3A_99] : memref<4x64xi32, #tpu.memory_space<vmem>> -> memref<1x64xi32, #tpu.memory_space<vmem>>
    %dma_wait3A_101 = tpu.memref_squeeze %dma_wait3A_100 : memref<1x64xi32, #tpu.memory_space<vmem>> -> memref<64xi32, #tpu.memory_space<vmem>>
    %dma_wait3A_102 = tpu.memref_slice %arg2[%dma_wait3A_97, %mul3A_2] : memref<4x2048xi32, #tpu.memory_space<hbm>> -> memref<1x64xi32, #tpu.memory_space<hbm>>
    %dma_wait3A_103 = tpu.memref_squeeze %dma_wait3A_102 : memref<1x64xi32, #tpu.memory_space<hbm>> -> memref<64xi32, #tpu.memory_space<hbm>>
    %dma_wait3A_104 = arith.constant 0 : i32
    %dma_wait3A_105 = tpu.memref_slice %arg7[%dma_wait3A_98, %dma_wait3A_104] : memref<4x64xi32, #tpu.memory_space<vmem>> -> memref<1x64xi32, #tpu.memory_space<vmem>>
    %dma_wait3A_106 = tpu.memref_squeeze %dma_wait3A_105 : memref<1x64xi32, #tpu.memory_space<vmem>> -> memref<64xi32, #tpu.memory_space<vmem>>
    %dma_wait3A_107 = tpu.memref_slice %arg2[%dma_wait3A_97, %mul3A_2] : memref<4x2048xi32, #tpu.memory_space<hbm>> -> memref<1x64xi32, #tpu.memory_space<hbm>>
    %dma_wait3A_108 = tpu.memref_squeeze %dma_wait3A_107 : memref<1x64xi32, #tpu.memory_space<hbm>> -> memref<64xi32, #tpu.memory_space<hbm>>
    tpu.wait_dma2 semaphore(%arg12 : memref<!tpu.dma_semaphore, #tpu.memory_space<semaphore_mem>>) src(%dma_wait3A_108 : memref<64xi32, #tpu.memory_space<hbm>>) dst(%dma_wait3A_106 : memref<64xi32, #tpu.memory_space<vmem>>)
    %dma_wait3A_109 = arith.constant 3 : i32
    %dma_wait3A_110 = arith.constant 3 : i32
    %dma_wait3A_111 = arith.constant 0 : i32
    %dma_wait3A_112 = tpu.memref_slice %arg7[%dma_wait3A_110, %dma_wait3A_111] : memref<4x64xi32, #tpu.memory_space<vmem>> -> memref<1x64xi32, #tpu.memory_space<vmem>>
    %dma_wait3A_113 = tpu.memref_squeeze %dma_wait3A_112 : memref<1x64xi32, #tpu.memory_space<vmem>> -> memref<64xi32, #tpu.memory_space<vmem>>
    %dma_wait3A_114 = tpu.memref_slice %arg2[%dma_wait3A_109, %mul3A_2] : memref<4x2048xi32, #tpu.memory_space<hbm>> -> memref<1x64xi32, #tpu.memory_space<hbm>>
    %dma_wait3A_115 = tpu.memref_squeeze %dma_wait3A_114 : memref<1x64xi32, #tpu.memory_space<hbm>> -> memref<64xi32, #tpu.memory_space<hbm>>
    %dma_wait3A_116 = arith.constant 0 : i32
    %dma_wait3A_117 = tpu.memref_slice %arg7[%dma_wait3A_110, %dma_wait3A_116] : memref<4x64xi32, #tpu.memory_space<vmem>> -> memref<1x64xi32, #tpu.memory_space<vmem>>
    %dma_wait3A_118 = tpu.memref_squeeze %dma_wait3A_117 : memref<1x64xi32, #tpu.memory_space<vmem>> -> memref<64xi32, #tpu.memory_space<vmem>>
    %dma_wait3A_119 = tpu.memref_slice %arg2[%dma_wait3A_109, %mul3A_2] : memref<4x2048xi32, #tpu.memory_space<hbm>> -> memref<1x64xi32, #tpu.memory_space<hbm>>
    %dma_wait3A_120 = tpu.memref_squeeze %dma_wait3A_119 : memref<1x64xi32, #tpu.memory_space<hbm>> -> memref<64xi32, #tpu.memory_space<hbm>>
    tpu.wait_dma2 semaphore(%arg12 : memref<!tpu.dma_semaphore, #tpu.memory_space<semaphore_mem>>) src(%dma_wait3A_120 : memref<64xi32, #tpu.memory_space<hbm>>) dst(%dma_wait3A_118 : memref<64xi32, #tpu.memory_space<vmem>>)
    %dma_wait3A_121 = arith.constant 0 : i32
    %dma_wait3A_122 = tpu.memref_slice %arg4[%mul3A_2, %dma_wait3A_121] : memref<8192x768xf32, #tpu.memory_space<hbm>> -> memref<64x768xf32, #tpu.memory_space<hbm>>
    %dma_wait3A_123 = arith.constant 0 : i32
    %dma_wait3A_124 = tpu.memref_slice %arg4[%mul3A_2, %dma_wait3A_123] : memref<8192x768xf32, #tpu.memory_space<hbm>> -> memref<64x768xf32, #tpu.memory_space<hbm>>
    tpu.wait_dma2 semaphore(%arg10 : memref<!tpu.dma_semaphore, #tpu.memory_space<semaphore_mem>>) src(%dma_wait3A_124 : memref<64x768xf32, #tpu.memory_space<hbm>>) dst(%arg6 : memref<64x768xf32, #tpu.memory_space<vmem>>)
    %scan3A = arith.constant 0 : i32
    %scan3A_125 = arith.constant 4 : i32
    %scan3A_126 = arith.addi %scan3A, %scan3A_125 : i32
    %scan3A_127 = arith.constant 1 : i32
    scf.for %scan3A_147 = %scan3A to %scan3A_126 step %scan3A_127  : i32 {
      %mul3A_148 = arith.constant 1 : i32
      %mul3A_149 = arith.muli %scan3A_147, %mul3A_148 : i32
      %add3A_150 = arith.constant 0 : i32
      %add3A_151 = arith.addi %add3A_150, %mul3A_149 : i32
      %gt3A = arith.constant 0 : i32
      %gt3A_152 = arith.cmpi sgt, %add3A_151, %gt3A : i32
      %convert_element_type3A = arith.extui %gt3A_152 : i1 to i32
      %cond3A = arith.constant 0 : i32
      %cond3A_153 = arith.cmpi ne, %convert_element_type3A, %cond3A : i32
      scf.if %cond3A_153 {
        %sub3A = arith.constant 1 : i32
        %sub3A_289 = arith.subi %add3A_151, %sub3A : i32
        %add3A_290 = arith.constant 32 : i32
        %add3A_291 = arith.addi %mul3A_2, %add3A_290 : i32
        %dma_wait3A_292 = arith.constant 0 : i32
        %dma_wait3A_293 = tpu.memref_slice %arg5[%sub3A_289, %add3A_291, %dma_wait3A_292] : memref<4x2048x768xf32, #tpu.memory_space<hbm>> -> memref<1x32x768xf32, #tpu.memory_space<hbm>>
        %dma_wait3A_294 = tpu.memref_squeeze %dma_wait3A_293 : memref<1x32x768xf32, #tpu.memory_space<hbm>> -> memref<32x768xf32, #tpu.memory_space<hbm>>
        %dma_wait3A_295 = arith.constant 0 : i32
        %dma_wait3A_296 = tpu.memref_slice %arg5[%sub3A_289, %add3A_291, %dma_wait3A_295] : memref<4x2048x768xf32, #tpu.memory_space<hbm>> -> memref<1x32x768xf32, #tpu.memory_space<hbm>>
        %dma_wait3A_297 = tpu.memref_squeeze %dma_wait3A_296 : memref<1x32x768xf32, #tpu.memory_space<hbm>> -> memref<32x768xf32, #tpu.memory_space<hbm>>
        tpu.wait_dma2 semaphore(%arg18 : memref<!tpu.dma_semaphore, #tpu.memory_space<semaphore_mem>>) src(%arg9 : memref<32x768xf32, #tpu.memory_space<vmem>>) dst(%dma_wait3A_297 : memref<32x768xf32, #tpu.memory_space<hbm>>)
      } else {
      }
      %dma_start3A_154 = arith.constant 0 : i32
      %dma_start3A_155 = arith.constant 0 : i32
      %dma_start3A_156 = tpu.memref_slice %arg9[%dma_start3A_154, %dma_start3A_155] : memref<32x768xf32, #tpu.memory_space<vmem>> -> memref<16x768xf32, #tpu.memory_space<vmem>>
      %dma_start3A_157 = arith.constant 32 : i32
      %dma_start3A_158 = tpu.memref_slice %arg7[%add3A_151, %dma_start3A_157] : memref<4x64xi32, #tpu.memory_space<vmem>> -> memref<1x16xi32, #tpu.memory_space<vmem>>
      %dma_start3A_159 = tpu.memref_squeeze %dma_start3A_158 : memref<1x16xi32, #tpu.memory_space<vmem>> -> memref<16xi32, #tpu.memory_space<vmem>>
      %dma_start3A_160 = arith.constant 0 : i32
      %dma_start3A_161 = arith.constant 0 : i32
      %dma_start3A_162 = tpu.memref_slice %arg3[%dma_start3A_160, %dma_start3A_161] : memref<100000x768xf32, #tpu.memory_space<hbm>> -> memref<100000x768xf32, #tpu.memory_space<hbm>>
      tpu.enqueue_indirect_dma source(%dma_start3A_162 : memref<100000x768xf32, #tpu.memory_space<hbm>>) target(%dma_start3A_156 : memref<16x768xf32, #tpu.memory_space<vmem>>) offsets(%dma_start3A_159 : memref<16xi32, #tpu.memory_space<vmem>>) semaphore(%arg15 : memref<!tpu.dma_semaphore, #tpu.memory_space<semaphore_mem>>)
      %dma_start3A_163 = arith.constant 16 : i32
      %dma_start3A_164 = arith.constant 0 : i32
      %dma_start3A_165 = tpu.memref_slice %arg9[%dma_start3A_163, %dma_start3A_164] : memref<32x768xf32, #tpu.memory_space<vmem>> -> memref<16x768xf32, #tpu.memory_space<vmem>>
      %dma_start3A_166 = arith.constant 48 : i32
      %dma_start3A_167 = tpu.memref_slice %arg7[%add3A_151, %dma_start3A_166] : memref<4x64xi32, #tpu.memory_space<vmem>> -> memref<1x16xi32, #tpu.memory_space<vmem>>
      %dma_start3A_168 = tpu.memref_squeeze %dma_start3A_167 : memref<1x16xi32, #tpu.memory_space<vmem>> -> memref<16xi32, #tpu.memory_space<vmem>>
      %dma_start3A_169 = arith.constant 0 : i32
      %dma_start3A_170 = arith.constant 0 : i32
      %dma_start3A_171 = tpu.memref_slice %arg3[%dma_start3A_169, %dma_start3A_170] : memref<100000x768xf32, #tpu.memory_space<hbm>> -> memref<100000x768xf32, #tpu.memory_space<hbm>>
      tpu.enqueue_indirect_dma source(%dma_start3A_171 : memref<100000x768xf32, #tpu.memory_space<hbm>>) target(%dma_start3A_165 : memref<16x768xf32, #tpu.memory_space<vmem>>) offsets(%dma_start3A_168 : memref<16xi32, #tpu.memory_space<vmem>>) semaphore(%arg16 : memref<!tpu.dma_semaphore, #tpu.memory_space<semaphore_mem>>)
      %dma_wait3A_172 = arith.constant 0 : i32
      %dma_wait3A_173 = arith.constant 0 : i32
      %dma_wait3A_174 = tpu.memref_slice %arg8[%dma_wait3A_172, %dma_wait3A_173] : memref<32x768xf32, #tpu.memory_space<vmem>> -> memref<16x768xf32, #tpu.memory_space<vmem>>
      %dma_wait3A_175 = arith.constant 0 : i32
      %dma_wait3A_176 = tpu.memref_slice %arg7[%add3A_151, %dma_wait3A_175] : memref<4x64xi32, #tpu.memory_space<vmem>> -> memref<1x16xi32, #tpu.memory_space<vmem>>
      %dma_wait3A_177 = tpu.memref_squeeze %dma_wait3A_176 : memref<1x16xi32, #tpu.memory_space<vmem>> -> memref<16xi32, #tpu.memory_space<vmem>>
      %dma_wait3A_178 = arith.constant 0 : i32
      %dma_wait3A_179 = arith.constant 0 : i32
      %dma_wait3A_180 = tpu.memref_slice %arg3[%dma_wait3A_178, %dma_wait3A_179] : memref<100000x768xf32, #tpu.memory_space<hbm>> -> memref<100000x768xf32, #tpu.memory_space<hbm>>
      tpu.wait_indirect_dma semaphore(%arg13 : memref<!tpu.dma_semaphore, #tpu.memory_space<semaphore_mem>>) src(%dma_wait3A_180 : memref<100000x768xf32, #tpu.memory_space<hbm>>) dst(%dma_wait3A_174 : memref<16x768xf32, #tpu.memory_space<vmem>>)
      %parallel_loop3A = arith.constant 0 : i32
      %parallel_loop3A_181 = arith.constant 16 : i32
      %parallel_loop3A_182 = arith.constant 1 : i32
      scf.for %parallel_loop3A_289 = %parallel_loop3A to %parallel_loop3A_181 step %parallel_loop3A_182  : i32 {
        %parallel_loop3A_290 = arith.constant 0 : i32
        %parallel_loop3A_291 = arith.constant 768 : i32
        %parallel_loop3A_292 = arith.constant 16 : i32
        scf.for %parallel_loop3A_293 = %parallel_loop3A_290 to %parallel_loop3A_291 step %parallel_loop3A_292  : i32 {
          %parallel_loop3A_294 = arith.constant 0 : i32
          %parallel_loop3A_295 = arith.addi %parallel_loop3A_294, %parallel_loop3A_289 : i32
          %parallel_loop3A_296 = arith.index_cast %parallel_loop3A_295 : i32 to index
          %parallel_loop3A_297 = arith.index_cast %parallel_loop3A_293 : i32 to index
          %parallel_loop3A_298 = tpu.vector_load %arg6[%parallel_loop3A_296, %parallel_loop3A_297] {strides = array<i32>} : memref<64x768xf32, #tpu.memory_space<vmem>>, vector<1x16xf32>,
          %parallel_loop3A_299 = vector.shape_cast %parallel_loop3A_298 : vector<1x16xf32> to vector<16xf32>
          %parallel_loop3A_300 = arith.index_cast %parallel_loop3A_289 : i32 to index
          %parallel_loop3A_301 = arith.index_cast %parallel_loop3A_293 : i32 to index
          %parallel_loop3A_302 = tpu.vector_load %arg8[%parallel_loop3A_300, %parallel_loop3A_301] {strides = array<i32>} : memref<32x768xf32, #tpu.memory_space<vmem>>, vector<1x16xf32>,
          %parallel_loop3A_303 = vector.shape_cast %parallel_loop3A_302 : vector<1x16xf32> to vector<16xf32>
          %parallel_loop3A_304 = vector.shape_cast %parallel_loop3A_299 : vector<16xf32> to vector<1x16xf32>
          tpu.vector_store %arg8[%parallel_loop3A_300, %parallel_loop3A_301], %parallel_loop3A_304 {add = true, strides = array<i32>} : memref<32x768xf32, #tpu.memory_space<vmem>>, vector<1x16xf32>,
        } {sc.loop_unroll_factor = 8 : i64, sc.parallel_access}
      } {sc.loop_unroll_factor = 2 : i64, sc.parallel_access}
      %add3A_183 = arith.constant 0 : i32
      %add3A_184 = arith.addi %mul3A_2, %add3A_183 : i32
      %add3A_185 = arith.constant 0 : i32
      %add3A_186 = arith.addi %add3A_184, %add3A_185 : i32
      %dma_start3A_187 = arith.constant 0 : i32
      %dma_start3A_188 = arith.constant 0 : i32
      %dma_start3A_189 = tpu.memref_slice %arg8[%dma_start3A_187, %dma_start3A_188] : memref<32x768xf32, #tpu.memory_space<vmem>> -> memref<16x768xf32, #tpu.memory_space<vmem>>
      %dma_start3A_190 = arith.constant 0 : i32
      %dma_start3A_191 = tpu.memref_slice %arg5[%add3A_151, %add3A_186, %dma_start3A_190] : memref<4x2048x768xf32, #tpu.memory_space<hbm>> -> memref<1x16x768xf32, #tpu.memory_space<hbm>>
      %dma_start3A_192 = tpu.memref_squeeze %dma_start3A_191 : memref<1x16x768xf32, #tpu.memory_space<hbm>> -> memref<16x768xf32, #tpu.memory_space<hbm>>
      %dma_start3A_193 = arith.constant 0 : i32
      %dma_start3A_194 = tpu.memref_slice %arg5[%add3A_151, %add3A_186, %dma_start3A_193] : memref<4x2048x768xf32, #tpu.memory_space<hbm>> -> memref<1x16x768xf32, #tpu.memory_space<hbm>>
      %dma_start3A_195 = tpu.memref_squeeze %dma_start3A_194 : memref<1x16x768xf32, #tpu.memory_space<hbm>> -> memref<16x768xf32, #tpu.memory_space<hbm>>
      %dma_start3A_196 = arith.constant 0 : i32
      %dma_start3A_197 = arith.constant 0 : i32
      %dma_start3A_198 = tpu.memref_slice %arg8[%dma_start3A_196, %dma_start3A_197] : memref<32x768xf32, #tpu.memory_space<vmem>> -> memref<16x768xf32, #tpu.memory_space<vmem>>
      tpu.enqueue_dma source(%dma_start3A_198 : memref<16x768xf32, #tpu.memory_space<vmem>>) target(%dma_start3A_195 : memref<16x768xf32, #tpu.memory_space<hbm>>) target_semaphore(%arg17 : memref<!tpu.dma_semaphore, #tpu.memory_space<semaphore_mem>>)
      %dma_wait3A_199 = arith.constant 16 : i32
      %dma_wait3A_200 = arith.constant 0 : i32
      %dma_wait3A_201 = tpu.memref_slice %arg8[%dma_wait3A_199, %dma_wait3A_200] : memref<32x768xf32, #tpu.memory_space<vmem>> -> memref<16x768xf32, #tpu.memory_space<vmem>>
      %dma_wait3A_202 = arith.constant 16 : i32
      %dma_wait3A_203 = tpu.memref_slice %arg7[%add3A_151, %dma_wait3A_202] : memref<4x64xi32, #tpu.memory_space<vmem>> -> memref<1x16xi32, #tpu.memory_space<vmem>>
      %dma_wait3A_204 = tpu.memref_squeeze %dma_wait3A_203 : memref<1x16xi32, #tpu.memory_space<vmem>> -> memref<16xi32, #tpu.memory_space<vmem>>
      %dma_wait3A_205 = arith.constant 0 : i32
      %dma_wait3A_206 = arith.constant 0 : i32
      %dma_wait3A_207 = tpu.memref_slice %arg3[%dma_wait3A_205, %dma_wait3A_206] : memref<100000x768xf32, #tpu.memory_space<hbm>> -> memref<100000x768xf32, #tpu.memory_space<hbm>>
      tpu.wait_indirect_dma semaphore(%arg14 : memref<!tpu.dma_semaphore, #tpu.memory_space<semaphore_mem>>) src(%dma_wait3A_207 : memref<100000x768xf32, #tpu.memory_space<hbm>>) dst(%dma_wait3A_201 : memref<16x768xf32, #tpu.memory_space<vmem>>)
      %parallel_loop3A_208 = arith.constant 16 : i32
      %parallel_loop3A_209 = arith.constant 32 : i32
      %parallel_loop3A_210 = arith.constant 1 : i32
      scf.for %parallel_loop3A_289 = %parallel_loop3A_208 to %parallel_loop3A_209 step %parallel_loop3A_210  : i32 {
        %parallel_loop3A_290 = arith.constant 0 : i32
        %parallel_loop3A_291 = arith.constant 768 : i32
        %parallel_loop3A_292 = arith.constant 16 : i32
        scf.for %parallel_loop3A_293 = %parallel_loop3A_290 to %parallel_loop3A_291 step %parallel_loop3A_292  : i32 {
          %parallel_loop3A_294 = arith.constant 0 : i32
          %parallel_loop3A_295 = arith.addi %parallel_loop3A_294, %parallel_loop3A_289 : i32
          %parallel_loop3A_296 = arith.index_cast %parallel_loop3A_295 : i32 to index
          %parallel_loop3A_297 = arith.index_cast %parallel_loop3A_293 : i32 to index
          %parallel_loop3A_298 = tpu.vector_load %arg6[%parallel_loop3A_296, %parallel_loop3A_297] {strides = array<i32>} : memref<64x768xf32, #tpu.memory_space<vmem>>, vector<1x16xf32>,
          %parallel_loop3A_299 = vector.shape_cast %parallel_loop3A_298 : vector<1x16xf32> to vector<16xf32>
          %parallel_loop3A_300 = arith.index_cast %parallel_loop3A_289 : i32 to index
          %parallel_loop3A_301 = arith.index_cast %parallel_loop3A_293 : i32 to index
          %parallel_loop3A_302 = tpu.vector_load %arg8[%parallel_loop3A_300, %parallel_loop3A_301] {strides = array<i32>} : memref<32x768xf32, #tpu.memory_space<vmem>>, vector<1x16xf32>,
          %parallel_loop3A_303 = vector.shape_cast %parallel_loop3A_302 : vector<1x16xf32> to vector<16xf32>
          %parallel_loop3A_304 = vector.shape_cast %parallel_loop3A_299 : vector<16xf32> to vector<1x16xf32>
          tpu.vector_store %arg8[%parallel_loop3A_300, %parallel_loop3A_301], %parallel_loop3A_304 {add = true, strides = array<i32>} : memref<32x768xf32, #tpu.memory_space<vmem>>, vector<1x16xf32>,
        } {sc.loop_unroll_factor = 8 : i64, sc.parallel_access}
      } {sc.loop_unroll_factor = 2 : i64, sc.parallel_access}
      %add3A_211 = arith.constant 0 : i32
      %add3A_212 = arith.addi %mul3A_2, %add3A_211 : i32
      %add3A_213 = arith.constant 16 : i32
      %add3A_214 = arith.addi %add3A_212, %add3A_213 : i32
      %dma_start3A_215 = arith.constant 16 : i32
      %dma_start3A_216 = arith.constant 0 : i32
      %dma_start3A_217 = tpu.memref_slice %arg8[%dma_start3A_215, %dma_start3A_216] : memref<32x768xf32, #tpu.memory_space<vmem>> -> memref<16x768xf32, #tpu.memory_space<vmem>>
      %dma_start3A_218 = arith.constant 0 : i32
      %dma_start3A_219 = tpu.memref_slice %arg5[%add3A_151, %add3A_214, %dma_start3A_218] : memref<4x2048x768xf32, #tpu.memory_space<hbm>> -> memref<1x16x768xf32, #tpu.memory_space<hbm>>
      %dma_start3A_220 = tpu.memref_squeeze %dma_start3A_219 : memref<1x16x768xf32, #tpu.memory_space<hbm>> -> memref<16x768xf32, #tpu.memory_space<hbm>>
      %dma_start3A_221 = arith.constant 0 : i32
      %dma_start3A_222 = tpu.memref_slice %arg5[%add3A_151, %add3A_214, %dma_start3A_221] : memref<4x2048x768xf32, #tpu.memory_space<hbm>> -> memref<1x16x768xf32, #tpu.memory_space<hbm>>
      %dma_start3A_223 = tpu.memref_squeeze %dma_start3A_222 : memref<1x16x768xf32, #tpu.memory_space<hbm>> -> memref<16x768xf32, #tpu.memory_space<hbm>>
      %dma_start3A_224 = arith.constant 16 : i32
      %dma_start3A_225 = arith.constant 0 : i32
      %dma_start3A_226 = tpu.memref_slice %arg8[%dma_start3A_224, %dma_start3A_225] : memref<32x768xf32, #tpu.memory_space<vmem>> -> memref<16x768xf32, #tpu.memory_space<vmem>>
      tpu.enqueue_dma source(%dma_start3A_226 : memref<16x768xf32, #tpu.memory_space<vmem>>) target(%dma_start3A_223 : memref<16x768xf32, #tpu.memory_space<hbm>>) target_semaphore(%arg17 : memref<!tpu.dma_semaphore, #tpu.memory_space<semaphore_mem>>)
      %dma_wait3A_227 = arith.constant 0 : i32
      %dma_wait3A_228 = arith.constant 0 : i32
      %dma_wait3A_229 = tpu.memref_slice %arg9[%dma_wait3A_227, %dma_wait3A_228] : memref<32x768xf32, #tpu.memory_space<vmem>> -> memref<16x768xf32, #tpu.memory_space<vmem>>
      %dma_wait3A_230 = arith.constant 32 : i32
      %dma_wait3A_231 = tpu.memref_slice %arg7[%add3A_151, %dma_wait3A_230] : memref<4x64xi32, #tpu.memory_space<vmem>> -> memref<1x16xi32, #tpu.memory_space<vmem>>
      %dma_wait3A_232 = tpu.memref_squeeze %dma_wait3A_231 : memref<1x16xi32, #tpu.memory_space<vmem>> -> memref<16xi32, #tpu.memory_space<vmem>>
      %dma_wait3A_233 = arith.constant 0 : i32
      %dma_wait3A_234 = arith.constant 0 : i32
      %dma_wait3A_235 = tpu.memref_slice %arg3[%dma_wait3A_233, %dma_wait3A_234] : memref<100000x768xf32, #tpu.memory_space<hbm>> -> memref<100000x768xf32, #tpu.memory_space<hbm>>
      tpu.wait_indirect_dma semaphore(%arg15 : memref<!tpu.dma_semaphore, #tpu.memory_space<semaphore_mem>>) src(%dma_wait3A_235 : memref<100000x768xf32, #tpu.memory_space<hbm>>) dst(%dma_wait3A_229 : memref<16x768xf32, #tpu.memory_space<vmem>>)
      %parallel_loop3A_236 = arith.constant 0 : i32
      %parallel_loop3A_237 = arith.constant 16 : i32
      %parallel_loop3A_238 = arith.constant 1 : i32
      scf.for %parallel_loop3A_289 = %parallel_loop3A_236 to %parallel_loop3A_237 step %parallel_loop3A_238  : i32 {
        %parallel_loop3A_290 = arith.constant 0 : i32
        %parallel_loop3A_291 = arith.constant 768 : i32
        %parallel_loop3A_292 = arith.constant 16 : i32
        scf.for %parallel_loop3A_293 = %parallel_loop3A_290 to %parallel_loop3A_291 step %parallel_loop3A_292  : i32 {
          %parallel_loop3A_294 = arith.constant 32 : i32
          %parallel_loop3A_295 = arith.addi %parallel_loop3A_294, %parallel_loop3A_289 : i32
          %parallel_loop3A_296 = arith.index_cast %parallel_loop3A_295 : i32 to index
          %parallel_loop3A_297 = arith.index_cast %parallel_loop3A_293 : i32 to index
          %parallel_loop3A_298 = tpu.vector_load %arg6[%parallel_loop3A_296, %parallel_loop3A_297] {strides = array<i32>} : memref<64x768xf32, #tpu.memory_space<vmem>>, vector<1x16xf32>,
          %parallel_loop3A_299 = vector.shape_cast %parallel_loop3A_298 : vector<1x16xf32> to vector<16xf32>
          %parallel_loop3A_300 = arith.index_cast %parallel_loop3A_289 : i32 to index
          %parallel_loop3A_301 = arith.index_cast %parallel_loop3A_293 : i32 to index
          %parallel_loop3A_302 = tpu.vector_load %arg9[%parallel_loop3A_300, %parallel_loop3A_301] {strides = array<i32>} : memref<32x768xf32, #tpu.memory_space<vmem>>, vector<1x16xf32>,
          %parallel_loop3A_303 = vector.shape_cast %parallel_loop3A_302 : vector<1x16xf32> to vector<16xf32>
          %parallel_loop3A_304 = vector.shape_cast %parallel_loop3A_299 : vector<16xf32> to vector<1x16xf32>
          tpu.vector_store %arg9[%parallel_loop3A_300, %parallel_loop3A_301], %parallel_loop3A_304 {add = true, strides = array<i32>} : memref<32x768xf32, #tpu.memory_space<vmem>>, vector<1x16xf32>,
        } {sc.loop_unroll_factor = 8 : i64, sc.parallel_access}
      } {sc.loop_unroll_factor = 2 : i64, sc.parallel_access}
      %add3A_239 = arith.constant 32 : i32
      %add3A_240 = arith.addi %mul3A_2, %add3A_239 : i32
      %add3A_241 = arith.constant 0 : i32
      %add3A_242 = arith.addi %add3A_240, %add3A_241 : i32
      %dma_start3A_243 = arith.constant 0 : i32
      %dma_start3A_244 = arith.constant 0 : i32
      %dma_start3A_245 = tpu.memref_slice %arg9[%dma_start3A_243, %dma_start3A_244] : memref<32x768xf32, #tpu.memory_space<vmem>> -> memref<16x768xf32, #tpu.memory_space<vmem>>
      %dma_start3A_246 = arith.constant 0 : i32
      %dma_start3A_247 = tpu.memref_slice %arg5[%add3A_151, %add3A_242, %dma_start3A_246] : memref<4x2048x768xf32, #tpu.memory_space<hbm>> -> memref<1x16x768xf32, #tpu.memory_space<hbm>>
      %dma_start3A_248 = tpu.memref_squeeze %dma_start3A_247 : memref<1x16x768xf32, #tpu.memory_space<hbm>> -> memref<16x768xf32, #tpu.memory_space<hbm>>
      %dma_start3A_249 = arith.constant 0 : i32
      %dma_start3A_250 = tpu.memref_slice %arg5[%add3A_151, %add3A_242, %dma_start3A_249] : memref<4x2048x768xf32, #tpu.memory_space<hbm>> -> memref<1x16x768xf32, #tpu.memory_space<hbm>>
      %dma_start3A_251 = tpu.memref_squeeze %dma_start3A_250 : memref<1x16x768xf32, #tpu.memory_space<hbm>> -> memref<16x768xf32, #tpu.memory_space<hbm>>
      %dma_start3A_252 = arith.constant 0 : i32
      %dma_start3A_253 = arith.constant 0 : i32
      %dma_start3A_254 = tpu.memref_slice %arg9[%dma_start3A_252, %dma_start3A_253] : memref<32x768xf32, #tpu.memory_space<vmem>> -> memref<16x768xf32, #tpu.memory_space<vmem>>
      tpu.enqueue_dma source(%dma_start3A_254 : memref<16x768xf32, #tpu.memory_space<vmem>>) target(%dma_start3A_251 : memref<16x768xf32, #tpu.memory_space<hbm>>) target_semaphore(%arg18 : memref<!tpu.dma_semaphore, #tpu.memory_space<semaphore_mem>>)
      %add3A_255 = arith.constant 1 : i32
      %add3A_256 = arith.addi %add3A_151, %add3A_255 : i32
      %lt3A = arith.constant 4 : i32
      %lt3A_257 = arith.cmpi slt, %add3A_256, %lt3A : i32
      %convert_element_type3A_258 = arith.extui %lt3A_257 : i1 to i32
      %cond3A_259 = arith.constant 0 : i32
      %cond3A_260 = arith.cmpi ne, %convert_element_type3A_258, %cond3A_259 : i32
      scf.if %cond3A_260 {
        %add3A_289 = arith.constant 0 : i32
        %add3A_290 = arith.addi %mul3A_2, %add3A_289 : i32
        %dma_wait3A_291 = arith.constant 0 : i32
        %dma_wait3A_292 = tpu.memref_slice %arg5[%add3A_151, %add3A_290, %dma_wait3A_291] : memref<4x2048x768xf32, #tpu.memory_space<hbm>> -> memref<1x32x768xf32, #tpu.memory_space<hbm>>
        %dma_wait3A_293 = tpu.memref_squeeze %dma_wait3A_292 : memref<1x32x768xf32, #tpu.memory_space<hbm>> -> memref<32x768xf32, #tpu.memory_space<hbm>>
        %dma_wait3A_294 = arith.constant 0 : i32
        %dma_wait3A_295 = tpu.memref_slice %arg5[%add3A_151, %add3A_290, %dma_wait3A_294] : memref<4x2048x768xf32, #tpu.memory_space<hbm>> -> memref<1x32x768xf32, #tpu.memory_space<hbm>>
        %dma_wait3A_296 = tpu.memref_squeeze %dma_wait3A_295 : memref<1x32x768xf32, #tpu.memory_space<hbm>> -> memref<32x768xf32, #tpu.memory_space<hbm>>
        tpu.wait_dma2 semaphore(%arg17 : memref<!tpu.dma_semaphore, #tpu.memory_space<semaphore_mem>>) src(%arg8 : memref<32x768xf32, #tpu.memory_space<vmem>>) dst(%dma_wait3A_296 : memref<32x768xf32, #tpu.memory_space<hbm>>)
        %add3A_297 = arith.constant 1 : i32
        %add3A_298 = arith.addi %add3A_151, %add3A_297 : i32
        %dma_start3A_299 = arith.constant 0 : i32
        %dma_start3A_300 = arith.constant 0 : i32
        %dma_start3A_301 = tpu.memref_slice %arg8[%dma_start3A_299, %dma_start3A_300] : memref<32x768xf32, #tpu.memory_space<vmem>> -> memref<16x768xf32, #tpu.memory_space<vmem>>
        %dma_start3A_302 = arith.constant 0 : i32
        %dma_start3A_303 = tpu.memref_slice %arg7[%add3A_298, %dma_start3A_302] : memref<4x64xi32, #tpu.memory_space<vmem>> -> memref<1x16xi32, #tpu.memory_space<vmem>>
        %dma_start3A_304 = tpu.memref_squeeze %dma_start3A_303 : memref<1x16xi32, #tpu.memory_space<vmem>> -> memref<16xi32, #tpu.memory_space<vmem>>
        %dma_start3A_305 = arith.constant 0 : i32
        %dma_start3A_306 = arith.constant 0 : i32
        %dma_start3A_307 = tpu.memref_slice %arg3[%dma_start3A_305, %dma_start3A_306] : memref<100000x768xf32, #tpu.memory_space<hbm>> -> memref<100000x768xf32, #tpu.memory_space<hbm>>
        tpu.enqueue_indirect_dma source(%dma_start3A_307 : memref<100000x768xf32, #tpu.memory_space<hbm>>) target(%dma_start3A_301 : memref<16x768xf32, #tpu.memory_space<vmem>>) offsets(%dma_start3A_304 : memref<16xi32, #tpu.memory_space<vmem>>) semaphore(%arg13 : memref<!tpu.dma_semaphore, #tpu.memory_space<semaphore_mem>>)
        %dma_start3A_308 = arith.constant 16 : i32
        %dma_start3A_309 = arith.constant 0 : i32
        %dma_start3A_310 = tpu.memref_slice %arg8[%dma_start3A_308, %dma_start3A_309] : memref<32x768xf32, #tpu.memory_space<vmem>> -> memref<16x768xf32, #tpu.memory_space<vmem>>
        %dma_start3A_311 = arith.constant 16 : i32
        %dma_start3A_312 = tpu.memref_slice %arg7[%add3A_298, %dma_start3A_311] : memref<4x64xi32, #tpu.memory_space<vmem>> -> memref<1x16xi32, #tpu.memory_space<vmem>>
        %dma_start3A_313 = tpu.memref_squeeze %dma_start3A_312 : memref<1x16xi32, #tpu.memory_space<vmem>> -> memref<16xi32, #tpu.memory_space<vmem>>
        %dma_start3A_314 = arith.constant 0 : i32
        %dma_start3A_315 = arith.constant 0 : i32
        %dma_start3A_316 = tpu.memref_slice %arg3[%dma_start3A_314, %dma_start3A_315] : memref<100000x768xf32, #tpu.memory_space<hbm>> -> memref<100000x768xf32, #tpu.memory_space<hbm>>
        tpu.enqueue_indirect_dma source(%dma_start3A_316 : memref<100000x768xf32, #tpu.memory_space<hbm>>) target(%dma_start3A_310 : memref<16x768xf32, #tpu.memory_space<vmem>>) offsets(%dma_start3A_313 : memref<16xi32, #tpu.memory_space<vmem>>) semaphore(%arg14 : memref<!tpu.dma_semaphore, #tpu.memory_space<semaphore_mem>>)
      } else {
      }
      %dma_wait3A_261 = arith.constant 16 : i32
      %dma_wait3A_262 = arith.constant 0 : i32
      %dma_wait3A_263 = tpu.memref_slice %arg9[%dma_wait3A_261, %dma_wait3A_262] : memref<32x768xf32, #tpu.memory_space<vmem>> -> memref<16x768xf32, #tpu.memory_space<vmem>>
      %dma_wait3A_264 = arith.constant 48 : i32
      %dma_wait3A_265 = tpu.memref_slice %arg7[%add3A_151, %dma_wait3A_264] : memref<4x64xi32, #tpu.memory_space<vmem>> -> memref<1x16xi32, #tpu.memory_space<vmem>>
      %dma_wait3A_266 = tpu.memref_squeeze %dma_wait3A_265 : memref<1x16xi32, #tpu.memory_space<vmem>> -> memref<16xi32, #tpu.memory_space<vmem>>
      %dma_wait3A_267 = arith.constant 0 : i32
      %dma_wait3A_268 = arith.constant 0 : i32
      %dma_wait3A_269 = tpu.memref_slice %arg3[%dma_wait3A_267, %dma_wait3A_268] : memref<100000x768xf32, #tpu.memory_space<hbm>> -> memref<100000x768xf32, #tpu.memory_space<hbm>>
      tpu.wait_indirect_dma semaphore(%arg16 : memref<!tpu.dma_semaphore, #tpu.memory_space<semaphore_mem>>) src(%dma_wait3A_269 : memref<100000x768xf32, #tpu.memory_space<hbm>>) dst(%dma_wait3A_263 : memref<16x768xf32, #tpu.memory_space<vmem>>)
      %parallel_loop3A_270 = arith.constant 16 : i32
      %parallel_loop3A_271 = arith.constant 32 : i32
      %parallel_loop3A_272 = arith.constant 1 : i32
      scf.for %parallel_loop3A_289 = %parallel_loop3A_270 to %parallel_loop3A_271 step %parallel_loop3A_272  : i32 {
        %parallel_loop3A_290 = arith.constant 0 : i32
        %parallel_loop3A_291 = arith.constant 768 : i32
        %parallel_loop3A_292 = arith.constant 16 : i32
        scf.for %parallel_loop3A_293 = %parallel_loop3A_290 to %parallel_loop3A_291 step %parallel_loop3A_292  : i32 {
          %parallel_loop3A_294 = arith.constant 32 : i32
          %parallel_loop3A_295 = arith.addi %parallel_loop3A_294, %parallel_loop3A_289 : i32
          %parallel_loop3A_296 = arith.index_cast %parallel_loop3A_295 : i32 to index
          %parallel_loop3A_297 = arith.index_cast %parallel_loop3A_293 : i32 to index
          %parallel_loop3A_298 = tpu.vector_load %arg6[%parallel_loop3A_296, %parallel_loop3A_297] {strides = array<i32>} : memref<64x768xf32, #tpu.memory_space<vmem>>, vector<1x16xf32>,
          %parallel_loop3A_299 = vector.shape_cast %parallel_loop3A_298 : vector<1x16xf32> to vector<16xf32>
          %parallel_loop3A_300 = arith.index_cast %parallel_loop3A_289 : i32 to index
          %parallel_loop3A_301 = arith.index_cast %parallel_loop3A_293 : i32 to index
          %parallel_loop3A_302 = tpu.vector_load %arg9[%parallel_loop3A_300, %parallel_loop3A_301] {strides = array<i32>} : memref<32x768xf32, #tpu.memory_space<vmem>>, vector<1x16xf32>,
          %parallel_loop3A_303 = vector.shape_cast %parallel_loop3A_302 : vector<1x16xf32> to vector<16xf32>
          %parallel_loop3A_304 = vector.shape_cast %parallel_loop3A_299 : vector<16xf32> to vector<1x16xf32>
          tpu.vector_store %arg9[%parallel_loop3A_300, %parallel_loop3A_301], %parallel_loop3A_304 {add = true, strides = array<i32>} : memref<32x768xf32, #tpu.memory_space<vmem>>, vector<1x16xf32>,
        } {sc.loop_unroll_factor = 8 : i64, sc.parallel_access}
      } {sc.loop_unroll_factor = 2 : i64, sc.parallel_access}
      %add3A_273 = arith.constant 32 : i32
      %add3A_274 = arith.addi %mul3A_2, %add3A_273 : i32
      %add3A_275 = arith.constant 16 : i32
      %add3A_276 = arith.addi %add3A_274, %add3A_275 : i32
      %dma_start3A_277 = arith.constant 16 : i32
      %dma_start3A_278 = arith.constant 0 : i32
      %dma_start3A_279 = tpu.memref_slice %arg9[%dma_start3A_277, %dma_start3A_278] : memref<32x768xf32, #tpu.memory_space<vmem>> -> memref<16x768xf32, #tpu.memory_space<vmem>>
      %dma_start3A_280 = arith.constant 0 : i32
      %dma_start3A_281 = tpu.memref_slice %arg5[%add3A_151, %add3A_276, %dma_start3A_280] : memref<4x2048x768xf32, #tpu.memory_space<hbm>> -> memref<1x16x768xf32, #tpu.memory_space<hbm>>
      %dma_start3A_282 = tpu.memref_squeeze %dma_start3A_281 : memref<1x16x768xf32, #tpu.memory_space<hbm>> -> memref<16x768xf32, #tpu.memory_space<hbm>>
      %dma_start3A_283 = arith.constant 0 : i32
      %dma_start3A_284 = tpu.memref_slice %arg5[%add3A_151, %add3A_276, %dma_start3A_283] : memref<4x2048x768xf32, #tpu.memory_space<hbm>> -> memref<1x16x768xf32, #tpu.memory_space<hbm>>
      %dma_start3A_285 = tpu.memref_squeeze %dma_start3A_284 : memref<1x16x768xf32, #tpu.memory_space<hbm>> -> memref<16x768xf32, #tpu.memory_space<hbm>>
      %dma_start3A_286 = arith.constant 16 : i32
      %dma_start3A_287 = arith.constant 0 : i32
      %dma_start3A_288 = tpu.memref_slice %arg9[%dma_start3A_286, %dma_start3A_287] : memref<32x768xf32, #tpu.memory_space<vmem>> -> memref<16x768xf32, #tpu.memory_space<vmem>>
      tpu.enqueue_dma source(%dma_start3A_288 : memref<16x768xf32, #tpu.memory_space<vmem>>) target(%dma_start3A_285 : memref<16x768xf32, #tpu.memory_space<hbm>>) target_semaphore(%arg18 : memref<!tpu.dma_semaphore, #tpu.memory_space<semaphore_mem>>)
    }
    %scan3A_128 = arith.constant 4 : i32
    %add3A_129 = arith.constant 0 : i32
    %add3A_130 = arith.addi %mul3A_2, %add3A_129 : i32
    %dma_wait3A_131 = arith.constant 3 : i32
    %dma_wait3A_132 = arith.constant 0 : i32
    %dma_wait3A_133 = tpu.memref_slice %arg5[%dma_wait3A_131, %add3A_130, %dma_wait3A_132] : memref<4x2048x768xf32, #tpu.memory_space<hbm>> -> memref<1x32x768xf32, #tpu.memory_space<hbm>>
    %dma_wait3A_134 = tpu.memref_squeeze %dma_wait3A_133 : memref<1x32x768xf32, #tpu.memory_space<hbm>> -> memref<32x768xf32, #tpu.memory_space<hbm>>
    %dma_wait3A_135 = arith.constant 0 : i32
    %dma_wait3A_136 = tpu.memref_slice %arg5[%dma_wait3A_131, %add3A_130, %dma_wait3A_135] : memref<4x2048x768xf32, #tpu.memory_space<hbm>> -> memref<1x32x768xf32, #tpu.memory_space<hbm>>
    %dma_wait3A_137 = tpu.memref_squeeze %dma_wait3A_136 : memref<1x32x768xf32, #tpu.memory_space<hbm>> -> memref<32x768xf32, #tpu.memory_space<hbm>>
    tpu.wait_dma2 semaphore(%arg17 : memref<!tpu.dma_semaphore, #tpu.memory_space<semaphore_mem>>) src(%arg8 : memref<32x768xf32, #tpu.memory_space<vmem>>) dst(%dma_wait3A_137 : memref<32x768xf32, #tpu.memory_space<hbm>>)
    %add3A_138 = arith.constant 32 : i32
    %add3A_139 = arith.addi %mul3A_2, %add3A_138 : i32
    %dma_wait3A_140 = arith.constant 3 : i32
    %dma_wait3A_141 = arith.constant 0 : i32
    %dma_wait3A_142 = tpu.memref_slice %arg5[%dma_wait3A_140, %add3A_139, %dma_wait3A_141] : memref<4x2048x768xf32, #tpu.memory_space<hbm>> -> memref<1x32x768xf32, #tpu.memory_space<hbm>>
    %dma_wait3A_143 = tpu.memref_squeeze %dma_wait3A_142 : memref<1x32x768xf32, #tpu.memory_space<hbm>> -> memref<32x768xf32, #tpu.memory_space<hbm>>
    %dma_wait3A_144 = arith.constant 0 : i32
    %dma_wait3A_145 = tpu.memref_slice %arg5[%dma_wait3A_140, %add3A_139, %dma_wait3A_144] : memref<4x2048x768xf32, #tpu.memory_space<hbm>> -> memref<1x32x768xf32, #tpu.memory_space<hbm>>
    %dma_wait3A_146 = tpu.memref_squeeze %dma_wait3A_145 : memref<1x32x768xf32, #tpu.memory_space<hbm>> -> memref<32x768xf32, #tpu.memory_space<hbm>>
    tpu.wait_dma2 semaphore(%arg18 : memref<!tpu.dma_semaphore, #tpu.memory_space<semaphore_mem>>) src(%arg9 : memref<32x768xf32, #tpu.memory_space<vmem>>) dst(%dma_wait3A_146 : memref<32x768xf32, #tpu.memory_space<hbm>>)
    return
  }
}

</mosaic_0001>

<sc_bundles>
// kernel: kernel.3.cloned.1.call-start
scs
__scs_entry_jumppad:
0x0: {  	(pc) =	sbr.rel $0x88, $3  }
0x1: {  	(tag) =	ssettag $0x0;
	lr =	simm.s32 $0x1  }
0x2: {  	[smem:$0x3F9E] =	sst lr;
	_ =	strace $0xD0000000  }
0x3: {  	_ = 	snop  }
0x4: {  	_ = 	snop  }
0x5: {  	_ = 	snop  }
0x6: {  	_ = 	snop  }
0x7: {  	_ = 	snop  }
__scs_overlays_trampoline_lowered:
0x8: {  	[smem:$0x3FAD] =	sst s0  }
0x9: {  	[smem:$0x3FAE] =	sst s1  }
0xa: {  	[smem:$0x3FAF] =	sst s2  }
0xb: {  	[smem:$0x3FB0] =	sst s3  }
0xc: {  	[smem:$0x3FB1] =	sst s4  }
0xd: {  	[smem:$0x3FB2] =	sst s5  }
0xe: {  	[smem:$0x3FB3] =	sst s6  }
0xf: {  	[smem:$0x3FB4] =	sst s7  }
0x10: {  	[smem:$0x3FB5] =	sst s8  }
0x11: {  	[smem:$0x3FB6] =	sst s9;
	s0 =	simm.s32 @!p0 $0x0  }
0x12: {  	s1 =	sld [smem:$0x3F9C];
	s0 =	simm.s32 @p0 $0x1  }
0x13: {  	[smem:$0x3FB7] =	sst s0;
	s0 =	simm.s32 @!p1 $0x0  }
0x14: {  	s2 =	sld [smem:$0x3F9B];
	s0 =	simm.s32 @p1 $0x1  }
0x15: {  	[smem:$0x3FB8] =	sst s0;
	s0 =	simm.s32 @!p2 $0x0  }
0x16: {  	s3 =	sld [smem:$0x3FDB];
	s0 =	simm.s32 @p2 $0x1  }
0x17: {  	s4 =	simm.s32 $0x1BF5;
	[smem:$0x3FBA] =	sst s0  }
0x18: {  	s0 =	sld [smem:$0x3F9D];
	_ =	swait.ge [sflag:s4], $0x0  }
0x19: {  	s7 =	sld [smem:$0x3F9E]  }
0x1a: {  	s8 =	sadd.s32 $0xFFFFE003, lr  }
0x1b: {  	s9 =	sadd.s32 $0xFFFFFEF7, lr;
	s5 =	simm.s32 $0xFFFFFFFF;
	p2 =	slt.u32 s8, $0xFFFFF086  }
0x1c: {  	p1 =	slt.u32 s9, $0xF7A;
	s5 =	simm.s32 @!p2 $0x0  }
0x1d: {  	s5 =	simm.s32 @p1 $0x1;
	p0 =	seq.s32 s7, s2  }
0x1e: {  	s7 =	smul.u32 @!p0 $0xF7A, s2;
	p2 =	seq.s32 @!p0 s5, $0x0  }
0x1f: {  	s9 =	smul.u32 $0xF7A, s1;
	s8 =	simm.s32 @!p0 $0x1BF5;
	p2 =	por !p2, p0  }
0x20: {  	[sflag:s8] =	ssyncset.s32 @!p0 $0xFFFFF086;
	s6 =	sadd.s32 @!p0 s3, s7;
	s7 =	simm.s32 @!p0 $0x108  }
0x21: {  	s3 =	sadd.s32 s3, s9;
	s6 =	sadd.s32 @!p0 $0x88, s6;
	s7 =	simm.s32 @p2 $0x1082  }
0x22: {  	[simem:s7], [sflag:s8] =	dma.local @!p0 [hbm:s6], $0xF7A  }
0x23: {  	s9 =	sor.u32 $0xD0000000, s2;
	s6 =	simm.s32 $0x108;
	_ =	swait.ge @!p0 [sflag:s8], $0x0  }
0x24: {  	s3 =	sadd.s32 $0x88, s3;
	s6 =	simm.s32 @!p1 $0x1082;
	[sflag:s4] =	ssyncset.s32 $0xFFFFF086  }
0x25: {  	[simem:s6], [sflag:s4] =	dma.local [hbm:s3], $0xF7A  }
0x26: {  	[smem:$0x3F9E] =	sst s1;
	(tag) =	ssettag s2;
	_ =	strace s9  }
0x27: {  	s1 =	sld [smem:$0x3FAE]  }
0x28: {  	s2 =	sld [smem:$0x3FAF]  }
0x29: {  	s4 =	sld [smem:$0x3FB1]  }
0x2a: {  	p0 =	seq.s32 s5, $0x0;
	s5 =	sld [smem:$0x3FB2]  }
0x2b: {  	s6 =	sld [smem:$0x3FB3]  }
0x2c: {  	s7 =	sld [smem:$0x3FB4]  }
0x2d: {  	s3 =	simm.s32 $0x108;
	s8 =	sld [smem:$0x3FB5]  }
0x2e: {  	s3 =	simm.s32 @!p0 $0x1082;
	s9 =	sld [smem:$0x3FB6]  }
0x2f: {  	lr =	sadd.s32 s0, s3;
	s0 =	sld [smem:$0x3FAD]  }
0x30: {  	s3 =	sld [smem:$0x3FB0]  }
0x31: {  	[smem:$0x3FB9] =	sst s10  }
0x32: {  	s10 =	sld [smem:$0x3FB7];
	_ =	sdelay $0x3  }
0x33: {  	p0 =	seq.s32 s10, $0x1;
	s10 =	sld [smem:$0x3FB9];
	_ =	sdelay $0x3  }
0x34: {  	[smem:$0x3FB9] =	sst s10  }
0x35: {  	s10 =	sld [smem:$0x3FB8];
	_ =	sdelay $0x3  }
0x36: {  	p1 =	seq.s32 s10, $0x1;
	s10 =	sld [smem:$0x3FB9];
	_ =	sdelay $0x3  }
0x37: {  	[smem:$0x3FB9] =	sst s10  }
0x38: {  	s10 =	sld [smem:$0x3FBA]  }
0x39: {  	_ = 	snop;
	(pc) =	sbr.ind lr, $3  }
0x3a: {  	_ = 	snop  }
0x3b: {  	_ = 	snop  }
0x3c: {  	p2 =	seq.s32 s10, $0x1;
	s10 =	sld [smem:$0x3FB9]  }
0x3d: {  	_ =	shalt  }
0x3e: {  	_ =	shalt  }
0x3f: {  	_ =	shalt  }
0x40: {  	_ =	shalt  }
0x41: {  	_ =	shalt  }
0x42: {  	_ =	shalt  }
0x43: {  	_ =	shalt  }
0x44: {  	_ =	shalt  }
0x45: {  	_ =	shalt  }
0x46: {  	_ =	shalt  }
0x47: {  	_ =	shalt  }
0x48: {  	_ =	shalt  }
0x49: {  	_ =	shalt  }
0x4a: {  	_ =	shalt  }
0x4b: {  	_ =	shalt  }
0x4c: {  	_ =	shalt  }
0x4d: {  	_ =	shalt  }
0x4e: {  	_ =	shalt  }
0x4f: {  	_ =	shalt  }
0x50: {  	_ =	shalt  }
0x51: {  	_ =	shalt  }
0x52: {  	_ =	shalt  }
0x53: {  	_ =	shalt  }
0x54: {  	_ =	shalt  }
0x55: {  	_ =	shalt  }
0x56: {  	_ =	shalt  }
0x57: {  	_ =	shalt  }
0x58: {  	_ =	shalt  }
0x59: {  	_ =	shalt  }
0x5a: {  	_ =	shalt  }
0x5b: {  	_ =	shalt  }
0x5c: {  	_ =	shalt  }
0x5d: {  	_ =	shalt  }
0x5e: {  	_ =	shalt  }
0x5f: {  	_ =	shalt  }
0x60: {  	_ =	shalt  }
0x61: {  	_ =	shalt  }
0x62: {  	_ =	shalt  }
0x63: {  	_ =	shalt  }
0x64: {  	_ =	shalt  }
0x65: {  	_ =	shalt  }
0x66: {  	_ =	shalt  }
0x67: {  	_ =	shalt  }
0x68: {  	_ =	shalt  }
0x69: {  	_ =	shalt  }
0x6a: {  	_ =	shalt  }
0x6b: {  	_ =	shalt  }
0x6c: {  	_ =	shalt  }
0x6d: {  	_ =	shalt  }
0x6e: {  	_ =	shalt  }
0x6f: {  	_ =	shalt  }
0x70: {  	_ =	shalt  }
0x71: {  	_ =	shalt  }
0x72: {  	_ =	shalt  }
0x73: {  	_ =	shalt  }
0x74: {  	_ =	shalt  }
0x75: {  	_ =	shalt  }
0x76: {  	_ =	shalt  }
0x77: {  	_ =	shalt  }
0x78: {  	_ =	shalt  }
0x79: {  	_ =	shalt  }
0x7a: {  	_ =	shalt  }
0x7b: {  	_ =	shalt  }
0x7c: {  	_ =	shalt  }
0x7d: {  	_ =	shalt  }
0x7e: {  	_ =	shalt  }
0x7f: {  	_ =	shalt  }
0x80: {  	_ =	shalt  }
0x81: {  	_ =	shalt  }
0x82: {  	_ =	shalt  }
0x83: {  	_ =	shalt  }
0x84: {  	_ =	shalt  }
0x85: {  	_ =	shalt  }
0x86: {  	_ =	shalt  }
0x87: {  	_ =	shalt  }
.Lfunc_end0:
.L_simem_size_0:
called_computation_lowered:
.L_overlay_start_0:
0x88: {  	s2 =	sld [smem:$0x3FD9]  }
0x89: {  	s3 =	sld [smem:$0x3FFE];
	_ =	sdelay $0x1  }
0x8a: {  	s1 =	srdreg.scid  }
0x8b: {  	s0 =	sand.u32 $0x1, s1  }
0x8c: {  	s18 =	sshll.u32 s0, $0xA;
	s2 =	sadd.s32 s3, s2  }
0x8d: {  	s2 =	sadd.s32 s2, s18  }
0x8e: {  	[smem:$0x3FC5] =	sst s2  }
0x8f: {  	_ = 	snop  }
0x90: {  	s2 =	sld [smem:$0x3FC9]  }
0x91: {  	s19 =	sld [smem:$0x3FC8]  }
0x92: {  	s4 =	sld [smem:$0x3FC7]  }
0x93: {  	s5 =	sld [smem:$0x3FD0];
	(tm) =	ssettm $0x1  }
0x94: {  	s6 =	sld [smem:$0x3FFB];
	_ =	sdelay $0x3  }
0x95: {  	_ =	strace s6  }
0x96: {  	s6 =	sld [smem:$0x3FFC];
	_ =	sdelay $0x3  }
0x97: {  	_ =	strace s6  }
0x98: {  	s6 =	sld [smem:$0x3FFD];
	_ =	sdelay $0x3  }
0x99: {  	_ =	strace s6  }
0x9a: {  	_ =	strace $0x8FFFFFFF  }
0x9b: {  	s20 =	sld [smem:$0x3FDB];
	_ =	sdelay $0x1  }
0x9c: {  	s7 =	simm.s32 $_scs_section_size  }
0x9d: {  	s8 =	simm.s32 $_size__tile_overlayer_lowered;
	s9 =	simm.s32 $_tile_overlayer_lowered  }
0x9e: {  	s23 =	simm.s32 $0x1BFF;
	s22 =	sshll.u32 s9, $0x1;
	s6 =	sadd.s32 s7, s20  }
0x9f: {  	s10 =	simm.s32 $0x0;
	s21 =	sshll.u32 s8, $0x1;
	s8 =	sadd.s32 s22, s6  }
0xa0: {  	[timem:s10], [sflag:s23] =	dma.local [hbm:s8], s21  }
0xa1: {  	_ =	swait.ge [sflag:s23], s21  }
0xa2: {  	s7 =	ssub.s32 $0x0, s21;
	[sflag:s23] =	ssyncset.done $0x0  }
0xa3: {  	[sflag:s23] =	ssyncadd.s32 s7;
	_ =	sdelay $0x1  }
0xa4: {  	s24 =	simm.s32 $0x1B8B  }
0xa5: {  	_ =	swait.ge [sflag:s24], $0x1  }
0xa6: {  	[sflag:s24] =	ssyncset.done $0x0  }
0xa7: {  	s25 =	simm.s32 $0x1B8E;
	[sflag:s24] =	ssyncadd.s32 $0xFFFFFFFF  }
0xa8: {  	s26 =	simm.s32 $execute0_lowered;
	[smem:$0x3FD2] =	sst s25  }
0xa9: {  	s7 =	sshll.u32 s26, $0x1;
	_ =	strace $0x80000046;
	[dreg:$0x1] =	wrdreg $0xFFFFFFFF  }
0xaa: {  	s28 =	simm.s32 $_size_execute0_lowered;
	s6 =	sadd.s32 s6, s7;
	[dreg:$0x0] =	wrdreg $0x0  }
0xab: {  	s7 =	sshll.u32 s28, $0x1;
	[dreg:$0x2] =	wrdreg s6  }
0xac: {  	[dreg:$0x3] =	wrdreg s7  }
0xad: {  	[dreg:$0x4] =	wrdreg $0xC0  }
0xae: {  	_ =	task [dreg:s10], $0x5FFFF  }
0xaf: {  	[dreg:$0x1] =	wrdreg $0xFFFFFFFF  }
0xb0: {  	[dreg:$0x0] =	wrdreg $0x60  }
0xb1: {  	[dreg:$0x2] =	wrdreg s2  }
0xb2: {  	[dreg:$0x3] =	wrdreg s19  }
0xb3: {  	[dreg:$0x4] =	wrdreg s4  }
0xb4: {  	[dreg:$0x5] =	wrdreg s5  }
0xb5: {  	[dreg:$0x6] =	wrdreg $0x9  }
0xb6: {  	_ =	task.clear_ibuf [dreg:s10], $0x7FFFF;
	_ =	strace $0x90000046  }
0xb7: {  	s29 =	simm.s32 $0x9;
	_ =	strace $0x80000048  }
0xb8: {  	_ =	swait.ge [sflag:s29], $0x1  }
0xb9: {  	[sflag:s29] =	ssyncadd.s32 $0xFFFFFFFF  }
0xba: {  	_ =	strace $0x90000048  }
0xbb: {  	_ =	sfence  }
0xbc: {  	s30 =	sld [smem:$0x0];
	_ =	sdelay $0x2  }
0xbd: {  	s31 =	sshll.u32 s1, $0xD;
	s1 =	sshrl.u32 s1, $0x2  }
0xbe: {  	s3 =	sand.u32 $0x4000, s31;
	s1 =	sadd.s32 s1, s30  }
0xbf: {  	s0 =	sor.u32 s3, s0;
	s1 =	sshll.u32 s1, $0x11  }
0xc0: {  	s0 =	sor.u32 s1, s0  }
0xc1: {  	s0 =	sadd.s32 $0x8F2B, s0  }
0xc2: {  	[sflag:s0] =	ssyncadd.remote.s32 $0x1  }
0xc3: {  	_ =	sfence.sel $0xFFFF  }
0xc4: {  	[dreg:$0x0] =	wrdreg $0xFFFFFFFF;
	(pc) =	sbr.abs _section_cstart, $3  }
0xc5: {  	[dreg:$0x1] =	wrdreg $0xFFFFFFFF  }
0xc6: {  	_ =	task.clear_ibuf [dreg:s10], $0x2FFFF;
	_ =	strace $0x9FFFFFFF  }
0xc7: {  	(tm) =	ssettm $0x7FFFFFFF  }
tec
execute0_lowered:
.L_overlay_start_1:
0x0: {  	(tag) =	ssettag $0x1  }
0x1: {  	s0 =	rddreg [dreg:$0x0]  }
0x2: {  	s1 =	rddreg [dreg:$0x1]  }
0x3: {  	s2 =	rddreg [dreg:$0x2]  }
0x4: {  	s3 =	rddreg [dreg:$0x3];
	s5 =	srdreg.scid  }
0x5: {  	s4 =	simm.s32 $0x0;
	s6 =	stileid.u32;
	s29 =	simm.s32 $0xF200  }
0x6: {  	s20 =	simm.s32 $0x12200;
	s30 =	simm.s32 $0x15200;
	s16 =	simm.s32 $0x7  }
0x7: {  	s5 =	sand.u32 $0x1, s5;
	[smem:$0x7FF] =	sst s4;
	s6 =	sshll.u32 s6, $0x7  }
0x8: {  	s11 =	sadd.s32 $0x100, s1;
	s12 =	sadd.s32 $0x200, s1;
	s7 =	sshll.u32 s5, $0x6  }
0x9: {  	_ =	strace $0x80000047;
	s8 =	ssub.s32 $0x2, s5;
	s6 =	sor.u32 s7, s6  }
0xa: {  	s9 =	sshrl.u32 s8, $0x1;
	s22 =	sshrl.u32 s6, $0x3;
	s6 =	sshll.u32 s6, $0x2  }
0xb: {  	s8 =	ssub.s32 s8, s9;
	s5 =	smul.u32 $0x1800, s22;
	s10 =	sand.u32 $0x1E00, s6  }
0xc: {  	s6 =	sor.u32 s7, s6;
	s31 =	smax.u32 s8, $0x1;
	s8 =	simm.s32 $0x4  }
0xd: {  	s23 =	sor.u32 s7, s10;
	s6 =	sshrl.u32 s6, $0x3;
	[dreg:$0xa] =	wrdreg s31  }
0xe: {  	s10 =	simm.s32 $0x6;
	s24 =	sshrl.u32 s5, $0x3;
	s9 =	sshrl.u32 s23, $0x3  }
0xf: {  	s26 =	sor.u32 $0x20, s6;
	s28 =	sor.u32 $0x30, s6;
	s2 =	sadd.s32 s2, s24  }
0x10: {  	s13 =	sor.u32 $0x3000, s5;
	s25 =	sadd.s32 s0, s9;
	[dreg:$0x5] =	wrdreg s2  }
0x11: {  	s14 =	sadd.s32 $0x6000, s5;
	[dreg:$0x6] =	wrdreg s25;
	s7 =	sadd.s32 $0x10, s25  }
0x12: {  	v2 =	vlaneseq.u32;
	s15 =	sadd.s32 $0x9000, s5;
	s2 =	sadd.s32 s0, s26;
	[dreg:$0x7] =	wrdreg s7  }
0x13: {  	vm0 =	vmmov $0xffff;
	v1 =	vshrl.u32 v2, $0x3;
	s6 =	simm.s32 $0x17A00;
	s0 =	sadd.s32 s0, s28;
	[dreg:$0x8] =	wrdreg s2  }
0x14: {  	v0 =	vand.u32 $0x7, v2;
	v2 =	vor.u32 $0x8, v2;
	v1 =	vmul.u32 $0x8, v1;
	s9 =	simm.s32 $0x5;
	[dreg:$0x9] =	wrdreg s0;
	s7 =	simm.s32 $0x0  }
.LBB2_1:
0x15: {  	[dreg:$0xb] =	wrdreg s7  }
0x16: {  	s0 =	rddreg [dreg:$0x5]  }
0x17: {  	[tilespmem:s4], [sflag:$0x1] =	stream.linear.gather [hbm4b:s0+s4], $0xC000, $0x38;
	[tilespmem:$0x18200] =	vst v63  }
0x18: {  	s21 =	rddreg [dreg:$0x6];
	s2 =	simm.s32 $0xC000  }
0x19: {  	[tilespmem:s2], [sflag:$0x2] =	stream.linear.gather [hbm4b:s21+s4], $0x40, $0x38;
	[tilespmem:$0x18200] =	vst v63  }
0x1a: {  	s22 =	rddreg [dreg:$0x7];
	s23 =	simm.s32 $0xC080  }
0x1b: {  	[tilespmem:s23], [sflag:$0x3] =	stream.linear.gather [hbm4b:s22+s4], $0x40, $0x38;
	[tilespmem:$0x18200] =	vst v63  }
0x1c: {  	s24 =	rddreg [dreg:$0x8];
	s25 =	simm.s32 $0xC100  }
0x1d: {  	[tilespmem:s25], [sflag:$0x3] =	stream.linear.gather [hbm4b:s24+s4], $0x40, $0x38;
	[tilespmem:$0x18200] =	vst v63  }
0x1e: {  	s26 =	rddreg [dreg:$0x9];
	s28 =	simm.s32 $0xC180;
	s31 =	simm.s32 $0x2  }
0x1f: {  	[tilespmem:s28], [sflag:$0x3] =	stream.linear.gather [hbm4b:s26+s4], $0x40, $0x38;
	[tilespmem:$0x18200] =	vst v63  }
0x20: {  	_ =	swait.ge [sflag:s31], $0x40  }
0x21: {  	[sflag:s31] =	ssyncset.done $0x0  }
0x22: {  	[sflag:s31] =	ssyncadd.s32 $0xFFFFFFC0  }
0x23: {  	v3 =	vld [tilespmem:$0xC000];
	_ =	sdelay $0x4  }
0x24: {  	v4 =	vshrl.u32 v3, $0x3  }
0x25: {  	v4 =	vmul.u32 $0x30, v4  }
0x26: {  	v3 =	vand.u32 $0x7, v3  }
0x27: {  	v3 =	vor.u32 v3, v4  }
0x28: {  	v4 =	vperm.xlane v3, v0;
	_ =	sdelay $0x1  }
0x29: {  	v4 =	vadd.s32 v1, v4;
	_ =	sdelay $0x3  }
0x2a: {  	s2 =	simm.s32 $0xC200;
	v3 =	vperm.xlane v3, v2  }
0x2b: {  	[tilespmem:s2], [sflag:$0x4] =	stream.indirect_vreg.gather [hbm4b:s1+s4], $0x80, v4, vm0, $0xb8;
	[tilespmem:$0x18200] =	vst v63  }
0x2c: {  	s7 =	simm.s32 $0xCA00;
	v3 =	vadd.s32 v1, v3  }
0x2d: {  	[tilespmem:s7], [sflag:$0x4] =	stream.indirect_vreg.gather [hbm4b:s11+s4], $0x80, v4, vm0, $0xb8;
	[tilespmem:$0x18200] =	vst v63  }
0x2e: {  	s17 =	simm.s32 $0xD200  }
0x2f: {  	[tilespmem:s17], [sflag:$0x4] =	stream.indirect_vreg.gather [hbm4b:s12+s4], $0x80, v4, vm0, $0xb8;
	[tilespmem:$0x18200] =	vst v63  }
0x30: {  	s18 =	simm.s32 $0xDA00  }
0x31: {  	[tilespmem:s18], [sflag:$0x4] =	stream.indirect_vreg.gather [hbm4b:s1+s4], $0x80, v3, vm0, $0xb8;
	[tilespmem:$0x18200] =	vst v63  }
0x32: {  	s19 =	simm.s32 $0xE200  }
0x33: {  	[tilespmem:s19], [sflag:$0x4] =	stream.indirect_vreg.gather [hbm4b:s11+s4], $0x80, v3, vm0, $0xb8;
	[tilespmem:$0x18200] =	vst v63  }
0x34: {  	s21 =	simm.s32 $0xEA00  }
0x35: {  	[tilespmem:s21], [sflag:$0x4] =	stream.indirect_vreg.gather [hbm4b:s12+s4], $0x80, v3, vm0, $0xb8;
	[tilespmem:$0x18200] =	vst v63  }
0x36: {  	v3 =	vld [tilespmem:$0xC010];
	_ =	sdelay $0x4  }
0x37: {  	v63 =	vshrl.u32 v3, $0x3  }
0x38: {  	v4 =	vmul.u32 $0x30, v63  }
0x39: {  	v3 =	vand.u32 $0x7, v3  }
0x3a: {  	v3 =	vor.u32 v3, v4  }
0x3b: {  	v4 =	vperm.xlane v3, v0;
	_ =	sdelay $0x1  }
0x3c: {  	v4 =	vadd.s32 v1, v4;
	_ =	sdelay $0x3  }
0x3d: {  	v3 =	vperm.xlane v3, v2  }
0x3e: {  	[tilespmem:s29], [sflag:$0x5] =	stream.indirect_vreg.gather [hbm4b:s1+s4], $0x80, v4, vm0, $0xb8;
	[tilespmem:$0x18200] =	vst v63  }
0x3f: {  	s22 =	simm.s32 $0xFA00;
	v3 =	vadd.s32 v1, v3  }
0x40: {  	[tilespmem:s22], [sflag:$0x5] =	stream.indirect_vreg.gather [hbm4b:s11+s4], $0x80, v4, vm0, $0xb8;
	[tilespmem:$0x18200] =	vst v63  }
0x41: {  	s23 =	simm.s32 $0x10200  }
0x42: {  	[tilespmem:s23], [sflag:$0x5] =	stream.indirect_vreg.gather [hbm4b:s12+s4], $0x80, v4, vm0, $0xb8;
	[tilespmem:$0x18200] =	vst v63  }
0x43: {  	s24 =	simm.s32 $0x10A00  }
0x44: {  	[tilespmem:s24], [sflag:$0x5] =	stream.indirect_vreg.gather [hbm4b:s1+s4], $0x80, v3, vm0, $0xb8;
	[tilespmem:$0x18200] =	vst v63  }
0x45: {  	s25 =	simm.s32 $0x11200  }
0x46: {  	[tilespmem:s25], [sflag:$0x5] =	stream.indirect_vreg.gather [hbm4b:s11+s4], $0x80, v3, vm0, $0xb8;
	[tilespmem:$0x18200] =	vst v63  }
0x47: {  	s26 =	simm.s32 $0x11A00;
	s28 =	simm.s32 $0x3  }
0x48: {  	[tilespmem:s26], [sflag:$0x5] =	stream.indirect_vreg.gather [hbm4b:s12+s4], $0x80, v3, vm0, $0xb8;
	[tilespmem:$0x18200] =	vst v63  }
0x49: {  	_ =	swait.ge [sflag:s28], $0x40  }
0x4a: {  	[sflag:s28] =	ssyncset.done $0x0  }
0x4b: {  	[sflag:s28] =	ssyncadd.s32 $0xFFFFFFC0  }
0x4c: {  	_ =	swait.ge [sflag:s28], $0x40  }
0x4d: {  	[sflag:s28] =	ssyncset.done $0x0  }
0x4e: {  	[sflag:s28] =	ssyncadd.s32 $0xFFFFFFC0  }
0x4f: {  	_ =	swait.ge [sflag:s28], $0x40  }
0x50: {  	[sflag:s28] =	ssyncset.done $0x0  }
0x51: {  	s31 =	simm.s32 $0x1;
	[sflag:s28] =	ssyncadd.s32 $0xFFFFFFC0  }
0x52: {  	_ =	swait.ge [sflag:s31], $0xC000  }
0x53: {  	[sflag:s31] =	ssyncset.done $0x0  }
0x54: {  	s21 =	simm.s32 $0x0;
	[sflag:s31] =	ssyncadd.s32 $0xFFFF4000  }
.LBB2_2:
0x55: {  	p0 =	seq.s32 s21, $0x0  }
0x56: {  	s0 =	simm.s32 @!p0 $0x9  }
0x57: {  	_ =	swait.ge @!p0 [sflag:s0], $0x6000  }
0x58: {  	s2 =	sshll.u32 s21, $0x7;
	[sflag:s0] =	ssyncset.done @!p0 $0x0  }
0x59: {  	s17 =	sand.u32 $0x3FFFFF80, s2;
	[sflag:s0] =	ssyncadd.s32 @!p0 $0xFFFFA000  }
0x5a: {  	v3 =	vld [tilespmem:s17+$0xC020];
	_ =	sdelay $0x4  }
0x5b: {  	v4 =	vshrl.u32 v3, $0x3  }
0x5c: {  	v4 =	vmul.u32 $0x30, v4  }
0x5d: {  	v3 =	vand.u32 $0x7, v3  }
0x5e: {  	v3 =	vor.u32 v3, v4  }
0x5f: {  	v4 =	vperm.xlane v3, v0;
	_ =	sdelay $0x1  }
0x60: {  	v4 =	vadd.s32 v1, v4;
	_ =	sdelay $0x3  }
0x61: {  	s7 =	simm.s32 $0x0;
	v3 =	vperm.xlane v3, v2  }
0x62: {  	[tilespmem:s20], [sflag:$0x6] =	stream.indirect_vreg.gather [hbm4b:s1+s7], $0x80, v4, vm0, $0xb8;
	[tilespmem:$0x18200] =	vst v63  }
0x63: {  	s18 =	simm.s32 $0x12A00;
	v3 =	vadd.s32 v1, v3  }
0x64: {  	[tilespmem:s18], [sflag:$0x6] =	stream.indirect_vreg.gather [hbm4b:s11+s7], $0x80, v4, vm0, $0xb8;
	[tilespmem:$0x18200] =	vst v63  }
0x65: {  	s19 =	simm.s32 $0x13200  }
0x66: {  	[tilespmem:s19], [sflag:$0x6] =	stream.indirect_vreg.gather [hbm4b:s12+s7], $0x80, v4, vm0, $0xb8;
	[tilespmem:$0x18200] =	vst v63  }
0x67: {  	s22 =	simm.s32 $0x13A00  }
0x68: {  	[tilespmem:s22], [sflag:$0x6] =	stream.indirect_vreg.gather [hbm4b:s1+s7], $0x80, v3, vm0, $0xb8;
	[tilespmem:$0x18200] =	vst v63  }
0x69: {  	s23 =	simm.s32 $0x14200  }
0x6a: {  	[tilespmem:s23], [sflag:$0x6] =	stream.indirect_vreg.gather [hbm4b:s11+s7], $0x80, v3, vm0, $0xb8;
	[tilespmem:$0x18200] =	vst v63  }
0x6b: {  	s24 =	simm.s32 $0x14A00  }
0x6c: {  	[tilespmem:s24], [sflag:$0x6] =	stream.indirect_vreg.gather [hbm4b:s12+s7], $0x80, v3, vm0, $0xb8;
	[tilespmem:$0x18200] =	vst v63  }
0x6d: {  	v3 =	vld [tilespmem:s17+$0xC030];
	_ =	sdelay $0x4  }
0x6e: {  	v63 =	vshrl.u32 v3, $0x3  }
0x6f: {  	v4 =	vmul.u32 $0x30, v63  }
0x70: {  	v3 =	vand.u32 $0x7, v3  }
0x71: {  	v3 =	vor.u32 v3, v4  }
0x72: {  	v4 =	vperm.xlane v3, v0;
	_ =	sdelay $0x1  }
0x73: {  	v4 =	vadd.s32 v1, v4;
	_ =	sdelay $0x3  }
0x74: {  	v3 =	vperm.xlane v3, v2  }
0x75: {  	[tilespmem:s30], [sflag:$0x7] =	stream.indirect_vreg.gather [hbm4b:s1+s7], $0x80, v4, vm0, $0xb8;
	[tilespmem:$0x18200] =	vst v63  }
0x76: {  	s25 =	simm.s32 $0x15A00;
	v3 =	vadd.s32 v1, v3  }
0x77: {  	[tilespmem:s25], [sflag:$0x7] =	stream.indirect_vreg.gather [hbm4b:s11+s7], $0x80, v4, vm0, $0xb8;
	[tilespmem:$0x18200] =	vst v63  }
0x78: {  	s26 =	simm.s32 $0x16200  }
0x79: {  	[tilespmem:s26], [sflag:$0x7] =	stream.indirect_vreg.gather [hbm4b:s12+s7], $0x80, v4, vm0, $0xb8;
	[tilespmem:$0x18200] =	vst v63  }
0x7a: {  	s28 =	simm.s32 $0x16A00  }
0x7b: {  	[tilespmem:s28], [sflag:$0x7] =	stream.indirect_vreg.gather [hbm4b:s1+s7], $0x80, v3, vm0, $0xb8;
	[tilespmem:$0x18200] =	vst v63  }
0x7c: {  	s31 =	simm.s32 $0x17200  }
0x7d: {  	[tilespmem:s31], [sflag:$0x7] =	stream.indirect_vreg.gather [hbm4b:s11+s7], $0x80, v3, vm0, $0xb8;
	[tilespmem:$0x18200] =	vst v63  }
0x7e: {  	_ = 	snop  }
0x7f: {  	[tilespmem:s6], [sflag:$0x7] =	stream.indirect_vreg.gather [hbm4b:s12+s7], $0x80, v3, vm0, $0xb8;
	[tilespmem:$0x18200] =	vst v63  }
0x80: {  	_ =	swait.ge [sflag:s8], $0x3000  }
0x81: {  	[sflag:s8] =	ssyncset.done $0x0  }
0x82: {  	s18 =	simm.s32 $0x0;
	[sflag:s8] =	ssyncadd.s32 $0xFFFFD000  }
.LBB2_3:
0x83: {  	s0 =	sshrl.u32 s7, $0x3  }
0x84: {  	s0 =	smul.u32 $0x6000, s0  }
0x85: {  	s2 =	sshll.u32 s18, $0xA  }
0x86: {  	s2 =	sand.u32 $0xC00, s2;
	s17 =	sshra.s32 s0, $0x2  }
0x87: {  	s19 =	sshrl.u32 s2, $0x2;
	s0 =	sor.u32 $0x40, s17  }
0x88: {  	s24 =	sadd.s32 s19, s0  }
0x89: {  	v3 =	vld [tilespmem:s24+$0x30]  }
0x8a: {  	v5 =	vld [tilespmem:s24+$0xFFFFFFC0]  }
0x8b: {  	v6 =	vld [tilespmem:s24+$0xFFFFFFD0]  }
0x8c: {  	v7 =	vld [tilespmem:s24+$0xFFFFFFE0]  }
0x8d: {  	v8 =	vld [tilespmem:s24+$0xFFFFFFF0]  }
0x8e: {  	s23 =	sadd.s32 $0xC200, s17;
	v9 =	vld [tilespmem:s24+$0x0]  }
0x8f: {  	s2 =	sadd.s32 s19, s23;
	v4 =	vld [tilespmem:s24+$0x10]  }
0x90: {  	[tilespmem:s2+$0x70] =	vst.add.f32.msk $0xffff, v3  }
0x91: {  	v3 =	vld [tilespmem:s24+$0x20]  }
0x92: {  	[tilespmem:s2+$0x0] =	vst.add.f32.msk $0xffff, v5  }
0x93: {  	[tilespmem:s2+$0x10] =	vst.add.f32.msk $0xffff, v6  }
0x94: {  	[tilespmem:s2+$0x20] =	vst.add.f32.msk $0xffff, v7  }
0x95: {  	[tilespmem:s2+$0x30] =	vst.add.f32.msk $0xffff, v8  }
0x96: {  	s25 =	simm.s32 $0x0;
	s24 =	sor.u32 $0x80, s17;
	[tilespmem:s2+$0x40] =	vst.add.f32.msk $0xffff, v9;
	s17 =	smov.u32 s23  }
.LBB2_4:
0x97: {  	s25 =	sadd.s32 $0x80, s25;
	[tilespmem:s2+$0x50] =	vst.add.f32.msk $0xffff, v4;
	s0 =	sadd.s32 $0x400, s0  }
0x98: {  	s26 =	sadd.s32 s19, s0;
	p0 =	slt.u32 s25, $0x280;
	[tilespmem:s2+$0x60] =	vst.add.f32.msk $0xffff, v3  }
0x99: {  	v3 =	vld [tilespmem:s26+$0x30]  }
0x9a: {  	v5 =	vld [tilespmem:s26+$0xFFFFFFC0]  }
0x9b: {  	v6 =	vld [tilespmem:s26+$0xFFFFFFD0]  }
0x9c: {  	s17 =	sadd.s32 $0x400, s17;
	v7 =	vld [tilespmem:s26+$0xFFFFFFE0]  }
0x9d: {  	s2 =	sadd.s32 s19, s17;
	v8 =	vld [tilespmem:s26+$0xFFFFFFF0]  }
0x9e: {  	[tilespmem:s2+$0x70] =	vst.add.f32.msk $0xffff, v3  }
0x9f: {  	v9 =	vld [tilespmem:s26+$0x0]  }
0xa0: {  	v4 =	vld [tilespmem:s26+$0x10]  }
0xa1: {  	v3 =	vld [tilespmem:s26+$0x20]  }
.Ltmp0:
0xa2: {  	[tilespmem:s2+$0x0] =	vst.add.f32.msk $0xffff, v5;
	(pc) =	sbr.rel @p0 .LBB2_4-.Ltmp0, $4  }
0xa3: {  	[tilespmem:s2+$0x10] =	vst.add.f32.msk $0xffff, v6  }
0xa4: {  	[tilespmem:s2+$0x20] =	vst.add.f32.msk $0xffff, v7  }
0xa5: {  	[tilespmem:s2+$0x30] =	vst.add.f32.msk $0xffff, v8  }
0xa6: {  	[tilespmem:s2+$0x40] =	vst.add.f32.msk $0xffff, v9  }
0xa7: {  	[tilespmem:s2+$0x50] =	vst.add.f32.msk $0xffff, v4  }
0xa8: {  	[tilespmem:s2+$0x60] =	vst.add.f32.msk $0xffff, v3;
	s31 =	sadd.s32 s19, s24  }
0xa9: {  	v3 =	vld [tilespmem:s31+$0x70]  }
0xaa: {  	v4 =	vld [tilespmem:s31+$0x0]  }
0xab: {  	v5 =	vld [tilespmem:s31+$0x10]  }
0xac: {  	v6 =	vld [tilespmem:s31+$0x20]  }
0xad: {  	v7 =	vld [tilespmem:s31+$0x30]  }
0xae: {  	v8 =	vld [tilespmem:s31+$0x40]  }
0xaf: {  	s0 =	sadd.s32 s19, s23;
	v9 =	vld [tilespmem:s31+$0x50]  }
0xb0: {  	[tilespmem:s0+$0xF0] =	vst.add.f32.msk $0xffff, v3  }
0xb1: {  	v3 =	vld [tilespmem:s31+$0x60]  }
0xb2: {  	[tilespmem:s0+$0x80] =	vst.add.f32.msk $0xffff, v4  }
0xb3: {  	[tilespmem:s0+$0x90] =	vst.add.f32.msk $0xffff, v5  }
0xb4: {  	[tilespmem:s0+$0xA0] =	vst.add.f32.msk $0xffff, v6  }
0xb5: {  	[tilespmem:s0+$0xB0] =	vst.add.f32.msk $0xffff, v7  }
0xb6: {  	[tilespmem:s0+$0xC0] =	vst.add.f32.msk $0xffff, v8  }
0xb7: {  	s2 =	simm.s32 $0x0;
	s17 =	sadd.s32 $0x400, s24;
	[tilespmem:s0+$0xD0] =	vst.add.f32.msk $0xffff, v9  }
.LBB2_6:
0xb8: {  	s24 =	sadd.s32 s19, s17;
	s2 =	sadd.s32 $0x80, s2;
	[tilespmem:s0+$0xE0] =	vst.add.f32.msk $0xffff, v3  }
0xb9: {  	v3 =	vld [tilespmem:s24+$0x70];
	p0 =	slt.u32 s2, $0x280  }
0xba: {  	v4 =	vld [tilespmem:s24+$0x0]  }
0xbb: {  	v5 =	vld [tilespmem:s24+$0x10]  }
0xbc: {  	s23 =	sadd.s32 $0x400, s23;
	v6 =	vld [tilespmem:s24+$0x20]  }
0xbd: {  	s0 =	sadd.s32 s19, s23;
	v7 =	vld [tilespmem:s24+$0x30]  }
0xbe: {  	[tilespmem:s0+$0xF0] =	vst.add.f32.msk $0xffff, v3  }
0xbf: {  	v8 =	vld [tilespmem:s24+$0x40]  }
0xc0: {  	v9 =	vld [tilespmem:s24+$0x50]  }
0xc1: {  	v3 =	vld [tilespmem:s24+$0x60]  }
0xc2: {  	[tilespmem:s0+$0x80] =	vst.add.f32.msk $0xffff, v4  }
.Ltmp1:
0xc3: {  	[tilespmem:s0+$0x90] =	vst.add.f32.msk $0xffff, v5;
	(pc) =	sbr.rel @p0 .LBB2_6-.Ltmp1, $4  }
0xc4: {  	[tilespmem:s0+$0xA0] =	vst.add.f32.msk $0xffff, v6  }
0xc5: {  	[tilespmem:s0+$0xB0] =	vst.add.f32.msk $0xffff, v7  }
0xc6: {  	[tilespmem:s0+$0xC0] =	vst.add.f32.msk $0xffff, v8  }
0xc7: {  	s17 =	sadd.s32 $0x400, s17;
	[tilespmem:s0+$0xD0] =	vst.add.f32.msk $0xffff, v9  }
0xc8: {  	p0 =	slt.u32 s7, $0xE  }
.Ltmp2:
0xc9: {  	_ = 	snop;
	(pc) =	sbr.rel @p0 .LBB2_3-.Ltmp2, $3  }
0xca: {  	_ =	sdelay $0x1  }
0xcb: {  	s2 =	sadd.s32 $0x2, s7  }
0xcc: {  	[tilespmem:s0+$0xE0] =	vst.add.f32.msk $0xffff, v3;
	s18 =	sadd.s32 $0x1, s18;
	s7 =	smov.u32 s2  }
0xcd: {  	s7 =	smul.u32 $0x180000, s21;
	_ =	sdelay $0x1  }
0xce: {  	s0 =	sadd.s32 s5, s7  }
0xcf: {  	s0 =	sshrl.u32 s0, $0x3  }
0xd0: {  	s18 =	simm.s32 $0x0;
	s2 =	simm.s32 $0xC200;
	s0 =	sadd.s32 s3, s0  }
0xd1: {  	[hbm4b:s0+s18] =	stream.linear.scatter [tilespmem:s2], [sflag:$0x8], $0x3000, $0x38;
	[tilespmem:$0x18200] =	vst v63  }
0xd2: {  	_ =	swait.ge [sflag:s9], $0x3000  }
0xd3: {  	[sflag:s9] =	ssyncset.done $0x0  }
0xd4: {  	s19 =	simm.s32 $0x10;
	[sflag:s9] =	ssyncadd.s32 $0xFFFFD000  }
.LBB2_9:
0xd5: {  	s0 =	sshrl.u32 s19, $0x3  }
0xd6: {  	s0 =	smul.u32 $0x6000, s0  }
0xd7: {  	s2 =	sshll.u32 s18, $0xA  }
0xd8: {  	s2 =	sand.u32 $0xC00, s2;
	s17 =	sshra.s32 s0, $0x2  }
0xd9: {  	s23 =	sshrl.u32 s2, $0x2;
	s0 =	sor.u32 $0x40, s17  }
0xda: {  	s25 =	sadd.s32 s23, s0  }
0xdb: {  	v3 =	vld [tilespmem:s25+$0x30]  }
0xdc: {  	v5 =	vld [tilespmem:s25+$0xFFFFFFC0]  }
0xdd: {  	v6 =	vld [tilespmem:s25+$0xFFFFFFD0]  }
0xde: {  	v7 =	vld [tilespmem:s25+$0xFFFFFFE0]  }
0xdf: {  	v8 =	vld [tilespmem:s25+$0xFFFFFFF0]  }
0xe0: {  	s24 =	sadd.s32 $0xC200, s17;
	v9 =	vld [tilespmem:s25+$0x0]  }
0xe1: {  	s2 =	sadd.s32 s23, s24;
	v4 =	vld [tilespmem:s25+$0x10]  }
0xe2: {  	[tilespmem:s2+$0x70] =	vst.add.f32.msk $0xffff, v3  }
0xe3: {  	v3 =	vld [tilespmem:s25+$0x20]  }
0xe4: {  	[tilespmem:s2+$0x0] =	vst.add.f32.msk $0xffff, v5  }
0xe5: {  	[tilespmem:s2+$0x10] =	vst.add.f32.msk $0xffff, v6  }
0xe6: {  	[tilespmem:s2+$0x20] =	vst.add.f32.msk $0xffff, v7  }
0xe7: {  	[tilespmem:s2+$0x30] =	vst.add.f32.msk $0xffff, v8  }
0xe8: {  	s26 =	simm.s32 $0x0;
	s25 =	sor.u32 $0x80, s17;
	[tilespmem:s2+$0x40] =	vst.add.f32.msk $0xffff, v9;
	s17 =	smov.u32 s24  }
.LBB2_10:
0xe9: {  	s26 =	sadd.s32 $0x80, s26;
	[tilespmem:s2+$0x50] =	vst.add.f32.msk $0xffff, v4;
	s0 =	sadd.s32 $0x400, s0  }
0xea: {  	s28 =	sadd.s32 s23, s0;
	p0 =	slt.u32 s26, $0x280;
	[tilespmem:s2+$0x60] =	vst.add.f32.msk $0xffff, v3  }
0xeb: {  	v3 =	vld [tilespmem:s28+$0x30]  }
0xec: {  	v5 =	vld [tilespmem:s28+$0xFFFFFFC0]  }
0xed: {  	v6 =	vld [tilespmem:s28+$0xFFFFFFD0]  }
0xee: {  	s17 =	sadd.s32 $0x400, s17;
	v7 =	vld [tilespmem:s28+$0xFFFFFFE0]  }
0xef: {  	s2 =	sadd.s32 s23, s17;
	v8 =	vld [tilespmem:s28+$0xFFFFFFF0]  }
0xf0: {  	[tilespmem:s2+$0x70] =	vst.add.f32.msk $0xffff, v3  }
0xf1: {  	v9 =	vld [tilespmem:s28+$0x0]  }
0xf2: {  	v4 =	vld [tilespmem:s28+$0x10]  }
0xf3: {  	v3 =	vld [tilespmem:s28+$0x20]  }
.Ltmp3:
0xf4: {  	[tilespmem:s2+$0x0] =	vst.add.f32.msk $0xffff, v5;
	(pc) =	sbr.rel @p0 .LBB2_10-.Ltmp3, $4  }
0xf5: {  	[tilespmem:s2+$0x10] =	vst.add.f32.msk $0xffff, v6  }
0xf6: {  	[tilespmem:s2+$0x20] =	vst.add.f32.msk $0xffff, v7  }
0xf7: {  	[tilespmem:s2+$0x30] =	vst.add.f32.msk $0xffff, v8  }
0xf8: {  	[tilespmem:s2+$0x40] =	vst.add.f32.msk $0xffff, v9  }
0xf9: {  	[tilespmem:s2+$0x50] =	vst.add.f32.msk $0xffff, v4  }
0xfa: {  	[tilespmem:s2+$0x60] =	vst.add.f32.msk $0xffff, v3;
	s31 =	sadd.s32 s23, s25  }
0xfb: {  	v3 =	vld [tilespmem:s31+$0x70]  }
0xfc: {  	v4 =	vld [tilespmem:s31+$0x0]  }
0xfd: {  	v5 =	vld [tilespmem:s31+$0x10]  }
0xfe: {  	v6 =	vld [tilespmem:s31+$0x20]  }
0xff: {  	v7 =	vld [tilespmem:s31+$0x30]  }
0x100: {  	v8 =	vld [tilespmem:s31+$0x40]  }
0x101: {  	s0 =	sadd.s32 s23, s24;
	v9 =	vld [tilespmem:s31+$0x50]  }
0x102: {  	[tilespmem:s0+$0xF0] =	vst.add.f32.msk $0xffff, v3  }
0x103: {  	v3 =	vld [tilespmem:s31+$0x60]  }
0x104: {  	[tilespmem:s0+$0x80] =	vst.add.f32.msk $0xffff, v4  }
0x105: {  	[tilespmem:s0+$0x90] =	vst.add.f32.msk $0xffff, v5  }
0x106: {  	[tilespmem:s0+$0xA0] =	vst.add.f32.msk $0xffff, v6  }
0x107: {  	[tilespmem:s0+$0xB0] =	vst.add.f32.msk $0xffff, v7  }
0x108: {  	[tilespmem:s0+$0xC0] =	vst.add.f32.msk $0xffff, v8  }
0x109: {  	s2 =	simm.s32 $0x0;
	s17 =	sadd.s32 $0x400, s25;
	[tilespmem:s0+$0xD0] =	vst.add.f32.msk $0xffff, v9  }
.LBB2_12:
0x10a: {  	s25 =	sadd.s32 s23, s17;
	s2 =	sadd.s32 $0x80, s2;
	[tilespmem:s0+$0xE0] =	vst.add.f32.msk $0xffff, v3  }
0x10b: {  	v3 =	vld [tilespmem:s25+$0x70];
	p0 =	slt.u32 s2, $0x280  }
0x10c: {  	v4 =	vld [tilespmem:s25+$0x0]  }
0x10d: {  	v5 =	vld [tilespmem:s25+$0x10]  }
0x10e: {  	s24 =	sadd.s32 $0x400, s24;
	v6 =	vld [tilespmem:s25+$0x20]  }
0x10f: {  	s0 =	sadd.s32 s23, s24;
	v7 =	vld [tilespmem:s25+$0x30]  }
0x110: {  	[tilespmem:s0+$0xF0] =	vst.add.f32.msk $0xffff, v3  }
0x111: {  	v8 =	vld [tilespmem:s25+$0x40]  }
0x112: {  	v9 =	vld [tilespmem:s25+$0x50]  }
0x113: {  	v3 =	vld [tilespmem:s25+$0x60]  }
0x114: {  	[tilespmem:s0+$0x80] =	vst.add.f32.msk $0xffff, v4  }
.Ltmp4:
0x115: {  	[tilespmem:s0+$0x90] =	vst.add.f32.msk $0xffff, v5;
	(pc) =	sbr.rel @p0 .LBB2_12-.Ltmp4, $4  }
0x116: {  	[tilespmem:s0+$0xA0] =	vst.add.f32.msk $0xffff, v6  }
0x117: {  	[tilespmem:s0+$0xB0] =	vst.add.f32.msk $0xffff, v7  }
0x118: {  	[tilespmem:s0+$0xC0] =	vst.add.f32.msk $0xffff, v8  }
0x119: {  	s17 =	sadd.s32 $0x400, s17;
	[tilespmem:s0+$0xD0] =	vst.add.f32.msk $0xffff, v9  }
0x11a: {  	p0 =	slt.u32 s19, $0x1E  }
.Ltmp5:
0x11b: {  	_ = 	snop;
	(pc) =	sbr.rel @p0 .LBB2_9-.Ltmp5, $3  }
0x11c: {  	_ =	sdelay $0x1  }
0x11d: {  	s2 =	sadd.s32 $0x2, s19  }
0x11e: {  	[tilespmem:s0+$0xE0] =	vst.add.f32.msk $0xffff, v3;
	s18 =	sadd.s32 $0x1, s18;
	s19 =	smov.u32 s2  }
0x11f: {  	s0 =	sadd.s32 s7, s13  }
0x120: {  	s0 =	sshrl.u32 s0, $0x3  }
0x121: {  	s19 =	simm.s32 $0x0;
	s0 =	sadd.s32 s3, s0  }
0x122: {  	[hbm4b:s0+s19] =	stream.linear.scatter [tilespmem:s29], [sflag:$0x8], $0x3000, $0x38;
	[tilespmem:$0x18200] =	vst v63  }
0x123: {  	_ =	swait.ge [sflag:s10], $0x3000  }
0x124: {  	s18 =	simm.s32 $0x20;
	[sflag:s10] =	ssyncset.done $0x0  }
0x125: {  	s23 =	simm.s32 $0x0;
	s24 =	simm.s32 $0x0;
	[sflag:s10] =	ssyncadd.s32 $0xFFFFD000  }
.LBB2_15:
0x126: {  	s0 =	sshrl.u32 s19, $0x3  }
0x127: {  	s26 =	sshll.u32 s24, $0xA;
	s17 =	smul.u32 $0x6000, s0  }
0x128: {  	s25 =	sand.u32 $0xC00, s26  }
0x129: {  	s31 =	sshrl.u32 s25, $0x2;
	s28 =	sshra.s32 s17, $0x2  }
0x12a: {  	s26 =	sadd.s32 s31, s28  }
0x12b: {  	v3 =	vld [tilespmem:s26+$0x6070]  }
0x12c: {  	v5 =	vld [tilespmem:s26+$0x6000]  }
0x12d: {  	v6 =	vld [tilespmem:s26+$0x6010]  }
0x12e: {  	v7 =	vld [tilespmem:s26+$0x6020]  }
0x12f: {  	v8 =	vld [tilespmem:s26+$0x6030]  }
0x130: {  	s0 =	sadd.s32 $0x12200, s28;
	v9 =	vld [tilespmem:s26+$0x6040]  }
0x131: {  	s2 =	sadd.s32 s31, s0;
	v4 =	vld [tilespmem:s26+$0x6050]  }
0x132: {  	[tilespmem:s2+$0x70] =	vst.add.f32.msk $0xffff, v3  }
0x133: {  	s22 =	sshrl.u32 s18, $0x3;
	v3 =	vld [tilespmem:s26+$0x6060]  }
0x134: {  	s22 =	smul.u32 $0x6000, s22;
	s26 =	sand.u32 $0x7, s23;
	[tilespmem:s2+$0x0] =	vst.add.f32.msk $0xffff, v5  }
0x135: {  	[tilespmem:s2+$0x10] =	vst.add.f32.msk $0xffff, v6;
	s26 =	sshll.u32 s26, $0x9  }
0x136: {  	s17 =	sor.u32 s25, s17;
	[tilespmem:s2+$0x20] =	vst.add.f32.msk $0xffff, v7;
	s22 =	sor.u32 s26, s22  }
0x137: {  	s17 =	sshra.s32 s17, $0x2;
	[tilespmem:s2+$0x30] =	vst.add.f32.msk $0xffff, v8;
	s22 =	sshra.s32 s22, $0x2  }
0x138: {  	s25 =	sadd.s32 $0x12200, s17;
	s17 =	simm.s32 $0x0;
	[tilespmem:s2+$0x40] =	vst.add.f32.msk $0xffff, v9;
	s26 =	sadd.s32 $0xF0, s22  }
.LBB2_16:
0x139: {  	s17 =	sadd.s32 $0x80, s17;
	[tilespmem:s2+$0x50] =	vst.add.f32.msk $0xffff, v4;
	s28 =	sadd.s32 $0x400, s28  }
0x13a: {  	s22 =	sadd.s32 s31, s28;
	p0 =	slt.u32 s17, $0x280;
	[tilespmem:s2+$0x60] =	vst.add.f32.msk $0xffff, v3  }
0x13b: {  	v3 =	vld [tilespmem:s22+$0x6070]  }
0x13c: {  	v5 =	vld [tilespmem:s22+$0x6000]  }
0x13d: {  	v6 =	vld [tilespmem:s22+$0x6010]  }
0x13e: {  	s0 =	sadd.s32 $0x400, s0;
	v7 =	vld [tilespmem:s22+$0x6020]  }
0x13f: {  	s2 =	sadd.s32 s31, s0;
	v8 =	vld [tilespmem:s22+$0x6030]  }
0x140: {  	[tilespmem:s2+$0x70] =	vst.add.f32.msk $0xffff, v3  }
0x141: {  	v9 =	vld [tilespmem:s22+$0x6040]  }
0x142: {  	v4 =	vld [tilespmem:s22+$0x6050]  }
0x143: {  	v3 =	vld [tilespmem:s22+$0x6060]  }
.Ltmp6:
0x144: {  	[tilespmem:s2+$0x0] =	vst.add.f32.msk $0xffff, v5;
	(pc) =	sbr.rel @p0 .LBB2_16-.Ltmp6, $4  }
0x145: {  	[tilespmem:s2+$0x10] =	vst.add.f32.msk $0xffff, v6  }
0x146: {  	[tilespmem:s2+$0x20] =	vst.add.f32.msk $0xffff, v7  }
0x147: {  	[tilespmem:s2+$0x30] =	vst.add.f32.msk $0xffff, v8  }
0x148: {  	[tilespmem:s2+$0x40] =	vst.add.f32.msk $0xffff, v9  }
0x149: {  	[tilespmem:s2+$0x50] =	vst.add.f32.msk $0xffff, v4  }
0x14a: {  	[tilespmem:s2+$0x60] =	vst.add.f32.msk $0xffff, v3;
	s31 =	sadd.s32 $0x0, s26  }
0x14b: {  	v3 =	vld [tilespmem:s31+$0x0]  }
0x14c: {  	v5 =	vld [tilespmem:s31+$0xFFFFFF90]  }
0x14d: {  	v6 =	vld [tilespmem:s31+$0xFFFFFFA0]  }
0x14e: {  	v7 =	vld [tilespmem:s31+$0xFFFFFFB0]  }
0x14f: {  	v8 =	vld [tilespmem:s31+$0xFFFFFFC0]  }
0x150: {  	v9 =	vld [tilespmem:s31+$0xFFFFFFD0]  }
0x151: {  	s0 =	sadd.s32 $0x0, s25;
	v4 =	vld [tilespmem:s31+$0xFFFFFFE0]  }
0x152: {  	[tilespmem:s0+$0xF0] =	vst.add.f32.msk $0xffff, v3  }
0x153: {  	v3 =	vld [tilespmem:s31+$0xFFFFFFF0]  }
0x154: {  	[tilespmem:s0+$0x80] =	vst.add.f32.msk $0xffff, v5  }
0x155: {  	[tilespmem:s0+$0x90] =	vst.add.f32.msk $0xffff, v6  }
0x156: {  	[tilespmem:s0+$0xA0] =	vst.add.f32.msk $0xffff, v7  }
0x157: {  	[tilespmem:s0+$0xB0] =	vst.add.f32.msk $0xffff, v8  }
0x158: {  	s2 =	simm.s32 $0x0;
	s17 =	simm.s32 $0x1000;
	[tilespmem:s0+$0xC0] =	vst.add.f32.msk $0xffff, v9  }
.LBB2_18:
0x159: {  	s22 =	sshra.s32 s17, $0x2;
	s2 =	sadd.s32 $0x80, s2;
	[tilespmem:s0+$0xD0] =	vst.add.f32.msk $0xffff, v4  }
0x15a: {  	s28 =	sadd.s32 s22, s26;
	p0 =	slt.u32 s2, $0x280;
	[tilespmem:s0+$0xE0] =	vst.add.f32.msk $0xffff, v3  }
0x15b: {  	v3 =	vld [tilespmem:s28+$0x0]  }
0x15c: {  	v5 =	vld [tilespmem:s28+$0xFFFFFF90]  }
0x15d: {  	v6 =	vld [tilespmem:s28+$0xFFFFFFA0]  }
0x15e: {  	v7 =	vld [tilespmem:s28+$0xFFFFFFB0]  }
0x15f: {  	s0 =	sadd.s32 s22, s25;
	v8 =	vld [tilespmem:s28+$0xFFFFFFC0]  }
0x160: {  	[tilespmem:s0+$0xF0] =	vst.add.f32.msk $0xffff, v3  }
0x161: {  	v9 =	vld [tilespmem:s28+$0xFFFFFFD0]  }
0x162: {  	v4 =	vld [tilespmem:s28+$0xFFFFFFE0]  }
0x163: {  	v3 =	vld [tilespmem:s28+$0xFFFFFFF0]  }
.Ltmp7:
0x164: {  	[tilespmem:s0+$0x80] =	vst.add.f32.msk $0xffff, v5;
	(pc) =	sbr.rel @p0 .LBB2_18-.Ltmp7, $4  }
0x165: {  	[tilespmem:s0+$0x90] =	vst.add.f32.msk $0xffff, v6  }
0x166: {  	[tilespmem:s0+$0xA0] =	vst.add.f32.msk $0xffff, v7  }
0x167: {  	[tilespmem:s0+$0xB0] =	vst.add.f32.msk $0xffff, v8  }
0x168: {  	s17 =	sadd.s32 $0x1000, s17;
	[tilespmem:s0+$0xC0] =	vst.add.f32.msk $0xffff, v9  }
0x169: {  	p0 =	slt.u32 s19, $0xE  }
.Ltmp8:
0x16a: {  	_ = 	snop;
	(pc) =	sbr.rel @p0 .LBB2_15-.Ltmp8, $3  }
0x16b: {  	_ =	sdelay $0x1  }
0x16c: {  	[tilespmem:s0+$0xD0] =	vst.add.f32.msk $0xffff, v4;
	s2 =	sadd.s32 $0x2, s19;
	s24 =	sadd.s32 $0x1, s24  }
0x16d: {  	[tilespmem:s0+$0xE0] =	vst.add.f32.msk $0xffff, v3;
	s18 =	sadd.s32 $0x2, s18;
	s23 =	sadd.s32 $0x2, s23;
	s19 =	smov.u32 s2  }
0x16e: {  	s0 =	sadd.s32 s7, s14  }
0x16f: {  	s0 =	sshrl.u32 s0, $0x3  }
0x170: {  	p0 =	seq.s32 s21, $0x3;
	s0 =	sadd.s32 s3, s0  }
0x171: {  	[hbm4b:s0+s4] =	stream.linear.scatter [tilespmem:s20], [sflag:$0x9], $0x3000, $0x38;
	[tilespmem:$0x18200] =	vst v63  }
0x172: {  	s0 =	simm.s32 @!p0 $0x8  }
0x173: {  	s21 =	sadd.s32 $0x1, s21;
	_ =	swait.ge @!p0 [sflag:s0], $0x6000  }
0x174: {  	s2 =	sshll.u32 @!p0 s21, $0x7;
	[sflag:s0] =	ssyncset.done @!p0 $0x0  }
0x175: {  	[sflag:s0] =	ssyncadd.s32 @!p0 $0xFFFFA000;
	s0 =	sand.u32 @!p0 $0x3FFFFF80, s2  }
0x176: {  	v3 =	vld @!p0 [tilespmem:s0+$0xC000];
	_ =	sdelay $0x4  }
0x177: {  	v4 =	vshrl.u32 @!p0 v3, $0x3  }
0x178: {  	v4 =	vmul.u32 @!p0 $0x30, v4  }
0x179: {  	v5 =	vlaneseq.u32 @!p0;
	v3 =	vand.u32 @!p0 $0x7, v3  }
0x17a: {  	v6 =	vshrl.u32 @!p0 v5, $0x3;
	v3 =	vor.u32 @!p0 v3, v4;
	v4 =	vand.u32 @!p0 $0x7, v5  }
0x17b: {  	v6 =	vmul.u32 @!p0 $0x8, v6;
	v7 =	vperm.xlane @!p0 v3, v4;
	_ =	sdelay $0x1  }
0x17c: {  	v7 =	vadd.s32 @!p0 v6, v7;
	_ =	sdelay $0x2  }
0x17d: {  	v5 =	vor.u32 @!p0 $0x8, v5  }
0x17e: {  	vm1 =	vmmov @!p0 $0xffff;
	s17 =	simm.s32 @!p0 $0xC200;
	s2 =	simm.s32 @!p0 $0x0;
	v3 =	vperm.xlane @!p0 v3, v5  }
0x17f: {  	[tilespmem:s17], [sflag:$0x4] =	stream.indirect_vreg.gather @!p0 [hbm4b:s1+s2], $0x80, v7, vm1, $0xb8;
	[tilespmem:$0x18200] =	vst v63  }
0x180: {  	v3 =	vadd.s32 @!p0 v6, v3;
	s17 =	simm.s32 @!p0 $0xCA00  }
0x181: {  	[tilespmem:s17], [sflag:$0x4] =	stream.indirect_vreg.gather @!p0 [hbm4b:s11+s2], $0x80, v7, vm1, $0xb8;
	[tilespmem:$0x18200] =	vst v63  }
0x182: {  	s17 =	simm.s32 @!p0 $0xD200  }
0x183: {  	[tilespmem:s17], [sflag:$0x4] =	stream.indirect_vreg.gather @!p0 [hbm4b:s12+s2], $0x80, v7, vm1, $0xb8;
	[tilespmem:$0x18200] =	vst v63  }
0x184: {  	s17 =	simm.s32 @!p0 $0xDA00  }
0x185: {  	[tilespmem:s17], [sflag:$0x4] =	stream.indirect_vreg.gather @!p0 [hbm4b:s1+s2], $0x80, v3, vm1, $0xb8;
	[tilespmem:$0x18200] =	vst v63  }
0x186: {  	s17 =	simm.s32 @!p0 $0xE200  }
0x187: {  	[tilespmem:s17], [sflag:$0x4] =	stream.indirect_vreg.gather @!p0 [hbm4b:s11+s2], $0x80, v3, vm1, $0xb8;
	[tilespmem:$0x18200] =	vst v63  }
0x188: {  	s17 =	simm.s32 @!p0 $0xEA00  }
0x189: {  	[tilespmem:s17], [sflag:$0x4] =	stream.indirect_vreg.gather @!p0 [hbm4b:s12+s2], $0x80, v3, vm1, $0xb8;
	[tilespmem:$0x18200] =	vst v63  }
0x18a: {  	v3 =	vld @!p0 [tilespmem:s0+$0xC010];
	_ =	sdelay $0x4  }
0x18b: {  	v7 =	vshrl.u32 @!p0 v3, $0x3  }
0x18c: {  	v7 =	vmul.u32 @!p0 $0x30, v7  }
0x18d: {  	v3 =	vand.u32 @!p0 $0x7, v3  }
0x18e: {  	v3 =	vor.u32 @!p0 v3, v7  }
0x18f: {  	v4 =	vperm.xlane @!p0 v3, v4;
	_ =	sdelay $0x1  }
0x190: {  	v4 =	vadd.s32 @!p0 v6, v4;
	_ =	sdelay $0x3  }
0x191: {  	s0 =	simm.s32 @!p0 $0xF200;
	v3 =	vperm.xlane @!p0 v3, v5  }
0x192: {  	[tilespmem:s0], [sflag:$0x5] =	stream.indirect_vreg.gather @!p0 [hbm4b:s1+s2], $0x80, v4, vm1, $0xb8;
	[tilespmem:$0x18200] =	vst v63  }
0x193: {  	v3 =	vadd.s32 @!p0 v6, v3;
	s0 =	simm.s32 @!p0 $0xFA00  }
0x194: {  	[tilespmem:s0], [sflag:$0x5] =	stream.indirect_vreg.gather @!p0 [hbm4b:s11+s2], $0x80, v4, vm1, $0xb8;
	[tilespmem:$0x18200] =	vst v63  }
0x195: {  	s0 =	simm.s32 @!p0 $0x10200  }
0x196: {  	[tilespmem:s0], [sflag:$0x5] =	stream.indirect_vreg.gather @!p0 [hbm4b:s12+s2], $0x80, v4, vm1, $0xb8;
	[tilespmem:$0x18200] =	vst v63  }
0x197: {  	s0 =	simm.s32 @!p0 $0x10A00  }
0x198: {  	[tilespmem:s0], [sflag:$0x5] =	stream.indirect_vreg.gather @!p0 [hbm4b:s1+s2], $0x80, v3, vm1, $0xb8;
	[tilespmem:$0x18200] =	vst v63  }
0x199: {  	s0 =	simm.s32 @!p0 $0x11200  }
0x19a: {  	[tilespmem:s0], [sflag:$0x5] =	stream.indirect_vreg.gather @!p0 [hbm4b:s11+s2], $0x80, v3, vm1, $0xb8;
	[tilespmem:$0x18200] =	vst v63  }
0x19b: {  	s0 =	simm.s32 @!p0 $0x11A00  }
0x19c: {  	[tilespmem:s0], [sflag:$0x5] =	stream.indirect_vreg.gather @!p0 [hbm4b:s12+s2], $0x80, v3, vm1, $0xb8;
	[tilespmem:$0x18200] =	vst v63  }
0x19d: {  	_ =	swait.ge [sflag:s16], $0x3000  }
0x19e: {  	s24 =	simm.s32 $0x10;
	s18 =	simm.s32 $0x0;
	[sflag:s16] =	ssyncset.done $0x0  }
0x19f: {  	s19 =	simm.s32 $0x30;
	s23 =	simm.s32 $0x0;
	[sflag:s16] =	ssyncadd.s32 $0xFFFFD000  }
.LBB2_21:
0x1a0: {  	s0 =	sshrl.u32 s24, $0x3  }
0x1a1: {  	s25 =	sshll.u32 s23, $0xA;
	s17 =	smul.u32 $0x6000, s0  }
0x1a2: {  	s22 =	sand.u32 $0xC00, s25  }
0x1a3: {  	s31 =	sshrl.u32 s22, $0x2;
	s28 =	sshra.s32 s17, $0x2  }
0x1a4: {  	s25 =	sadd.s32 s31, s28  }
0x1a5: {  	v3 =	vld [tilespmem:s25+$0x6070]  }
0x1a6: {  	v5 =	vld [tilespmem:s25+$0x6000]  }
0x1a7: {  	v6 =	vld [tilespmem:s25+$0x6010]  }
0x1a8: {  	v7 =	vld [tilespmem:s25+$0x6020]  }
0x1a9: {  	v8 =	vld [tilespmem:s25+$0x6030]  }
0x1aa: {  	s0 =	sadd.s32 $0x12200, s28;
	v9 =	vld [tilespmem:s25+$0x6040]  }
0x1ab: {  	s2 =	sadd.s32 s31, s0;
	v4 =	vld [tilespmem:s25+$0x6050]  }
0x1ac: {  	[tilespmem:s2+$0x70] =	vst.add.f32.msk $0xffff, v3  }
0x1ad: {  	s26 =	sshrl.u32 s19, $0x3;
	v3 =	vld [tilespmem:s25+$0x6060]  }
0x1ae: {  	s25 =	smul.u32 $0x6000, s26;
	s26 =	sand.u32 $0x7, s18;
	[tilespmem:s2+$0x0] =	vst.add.f32.msk $0xffff, v5  }
0x1af: {  	[tilespmem:s2+$0x10] =	vst.add.f32.msk $0xffff, v6;
	s26 =	sshll.u32 s26, $0x9  }
0x1b0: {  	s17 =	sor.u32 s22, s17;
	[tilespmem:s2+$0x20] =	vst.add.f32.msk $0xffff, v7;
	s26 =	sor.u32 s26, s25  }
0x1b1: {  	s17 =	sshra.s32 s17, $0x2;
	[tilespmem:s2+$0x30] =	vst.add.f32.msk $0xffff, v8;
	s22 =	sshra.s32 s26, $0x2  }
0x1b2: {  	[tilespmem:s2+$0x40] =	vst.add.f32.msk $0xffff, v9;
	s25 =	sadd.s32 $0x12200, s17;
	s17 =	simm.s32 $0x0;
	s26 =	sadd.s32 $0xF0, s22  }
.LBB2_22:
0x1b3: {  	s17 =	sadd.s32 $0x80, s17;
	[tilespmem:s2+$0x50] =	vst.add.f32.msk $0xffff, v4;
	s28 =	sadd.s32 $0x400, s28  }
0x1b4: {  	s22 =	sadd.s32 s31, s28;
	p0 =	slt.u32 s17, $0x280;
	[tilespmem:s2+$0x60] =	vst.add.f32.msk $0xffff, v3  }
0x1b5: {  	v3 =	vld [tilespmem:s22+$0x6070]  }
0x1b6: {  	v5 =	vld [tilespmem:s22+$0x6000]  }
0x1b7: {  	v6 =	vld [tilespmem:s22+$0x6010]  }
0x1b8: {  	s0 =	sadd.s32 $0x400, s0;
	v7 =	vld [tilespmem:s22+$0x6020]  }
0x1b9: {  	s2 =	sadd.s32 s31, s0;
	v8 =	vld [tilespmem:s22+$0x6030]  }
0x1ba: {  	[tilespmem:s2+$0x70] =	vst.add.f32.msk $0xffff, v3  }
0x1bb: {  	v9 =	vld [tilespmem:s22+$0x6040]  }
0x1bc: {  	v4 =	vld [tilespmem:s22+$0x6050]  }
0x1bd: {  	v3 =	vld [tilespmem:s22+$0x6060]  }
.Ltmp9:
0x1be: {  	[tilespmem:s2+$0x0] =	vst.add.f32.msk $0xffff, v5;
	(pc) =	sbr.rel @p0 .LBB2_22-.Ltmp9, $4  }
0x1bf: {  	[tilespmem:s2+$0x10] =	vst.add.f32.msk $0xffff, v6  }
0x1c0: {  	[tilespmem:s2+$0x20] =	vst.add.f32.msk $0xffff, v7  }
0x1c1: {  	[tilespmem:s2+$0x30] =	vst.add.f32.msk $0xffff, v8  }
0x1c2: {  	[tilespmem:s2+$0x40] =	vst.add.f32.msk $0xffff, v9  }
0x1c3: {  	[tilespmem:s2+$0x50] =	vst.add.f32.msk $0xffff, v4  }
0x1c4: {  	[tilespmem:s2+$0x60] =	vst.add.f32.msk $0xffff, v3;
	s31 =	sadd.s32 $0x0, s26  }
0x1c5: {  	v3 =	vld [tilespmem:s31+$0x0]  }
0x1c6: {  	v5 =	vld [tilespmem:s31+$0xFFFFFF90]  }
0x1c7: {  	v6 =	vld [tilespmem:s31+$0xFFFFFFA0]  }
0x1c8: {  	v7 =	vld [tilespmem:s31+$0xFFFFFFB0]  }
0x1c9: {  	v8 =	vld [tilespmem:s31+$0xFFFFFFC0]  }
0x1ca: {  	v9 =	vld [tilespmem:s31+$0xFFFFFFD0]  }
0x1cb: {  	s0 =	sadd.s32 $0x0, s25;
	v4 =	vld [tilespmem:s31+$0xFFFFFFE0]  }
0x1cc: {  	[tilespmem:s0+$0xF0] =	vst.add.f32.msk $0xffff, v3  }
0x1cd: {  	v3 =	vld [tilespmem:s31+$0xFFFFFFF0]  }
0x1ce: {  	[tilespmem:s0+$0x80] =	vst.add.f32.msk $0xffff, v5  }
0x1cf: {  	[tilespmem:s0+$0x90] =	vst.add.f32.msk $0xffff, v6  }
0x1d0: {  	[tilespmem:s0+$0xA0] =	vst.add.f32.msk $0xffff, v7  }
0x1d1: {  	[tilespmem:s0+$0xB0] =	vst.add.f32.msk $0xffff, v8  }
0x1d2: {  	s2 =	simm.s32 $0x0;
	s17 =	simm.s32 $0x1000;
	[tilespmem:s0+$0xC0] =	vst.add.f32.msk $0xffff, v9  }
.LBB2_24:
0x1d3: {  	s22 =	sshra.s32 s17, $0x2;
	s2 =	sadd.s32 $0x80, s2;
	[tilespmem:s0+$0xD0] =	vst.add.f32.msk $0xffff, v4  }
0x1d4: {  	s28 =	sadd.s32 s22, s26;
	p0 =	slt.u32 s2, $0x280;
	[tilespmem:s0+$0xE0] =	vst.add.f32.msk $0xffff, v3  }
0x1d5: {  	v3 =	vld [tilespmem:s28+$0x0]  }
0x1d6: {  	v5 =	vld [tilespmem:s28+$0xFFFFFF90]  }
0x1d7: {  	v6 =	vld [tilespmem:s28+$0xFFFFFFA0]  }
0x1d8: {  	v7 =	vld [tilespmem:s28+$0xFFFFFFB0]  }
0x1d9: {  	s0 =	sadd.s32 s22, s25;
	v8 =	vld [tilespmem:s28+$0xFFFFFFC0]  }
0x1da: {  	[tilespmem:s0+$0xF0] =	vst.add.f32.msk $0xffff, v3  }
0x1db: {  	v9 =	vld [tilespmem:s28+$0xFFFFFFD0]  }
0x1dc: {  	v4 =	vld [tilespmem:s28+$0xFFFFFFE0]  }
0x1dd: {  	v3 =	vld [tilespmem:s28+$0xFFFFFFF0]  }
.Ltmp10:
0x1de: {  	[tilespmem:s0+$0x80] =	vst.add.f32.msk $0xffff, v5;
	(pc) =	sbr.rel @p0 .LBB2_24-.Ltmp10, $4  }
0x1df: {  	[tilespmem:s0+$0x90] =	vst.add.f32.msk $0xffff, v6  }
0x1e0: {  	[tilespmem:s0+$0xA0] =	vst.add.f32.msk $0xffff, v7  }
0x1e1: {  	[tilespmem:s0+$0xB0] =	vst.add.f32.msk $0xffff, v8  }
0x1e2: {  	s17 =	sadd.s32 $0x1000, s17;
	[tilespmem:s0+$0xC0] =	vst.add.f32.msk $0xffff, v9  }
0x1e3: {  	p0 =	slt.u32 s24, $0x1E  }
.Ltmp11:
0x1e4: {  	_ = 	snop;
	(pc) =	sbr.rel @p0 .LBB2_21-.Ltmp11, $3  }
0x1e5: {  	_ =	sdelay $0x1  }
0x1e6: {  	[tilespmem:s0+$0xD0] =	vst.add.f32.msk $0xffff, v4;
	s2 =	sadd.s32 $0x2, s24;
	s23 =	sadd.s32 $0x1, s23  }
0x1e7: {  	[tilespmem:s0+$0xE0] =	vst.add.f32.msk $0xffff, v3;
	s19 =	sadd.s32 $0x2, s19;
	s18 =	sadd.s32 $0x2, s18;
	s24 =	smov.u32 s2  }
0x1e8: {  	p0 =	sne.s32 s21, $0x4  }
.Ltmp12:
0x1e9: {  	_ = 	snop;
	(pc) =	sbr.rel @p0 .LBB2_2-.Ltmp12, $4  }
0x1ea: {  	s0 =	sadd.s32 s7, s15  }
0x1eb: {  	s0 =	sshrl.u32 s0, $0x3  }
0x1ec: {  	s0 =	sadd.s32 s3, s0  }
0x1ed: {  	[hbm4b:s0+s4] =	stream.linear.scatter [tilespmem:s30], [sflag:$0x9], $0x3000, $0x38;
	[tilespmem:$0x18200] =	vst v63  }
0x1ee: {  	s0 =	simm.s32 $0x8  }
0x1ef: {  	_ =	swait.ge [sflag:s0], $0x6000  }
0x1f0: {  	[sflag:s0] =	ssyncset.done $0x0  }
0x1f1: {  	s2 =	simm.s32 $0x9;
	[sflag:s0] =	ssyncadd.s32 $0xFFFFA000  }
0x1f2: {  	_ =	swait.ge [sflag:s2], $0x6000  }
0x1f3: {  	s7 =	rddreg [dreg:$0xb]  }
0x1f4: {  	s31 =	rddreg [dreg:$0xa];
	s7 =	sadd.s32 $0x1, s7  }
0x1f5: {  	p0 =	sne.s32 s7, s31  }
.Ltmp13:
0x1f6: {  	_ = 	snop;
	(pc) =	sbr.rel @p0 .LBB2_1-.Ltmp13, $3  }
0x1f7: {  	_ =	sdelay $0x1  }
0x1f8: {  	[sflag:s2] =	ssyncset.done $0x0  }
0x1f9: {  	[sflag:s2] =	ssyncadd.s32 $0xFFFFA000  }
0x1fa: {  	_ =	sfence.sel $0x180000  }
0x1fb: {  	[bflag:$0x0] =	sbarrier.arrive $0xFFFF  }
0x1fc: {  	_ =	strace $0x90000047  }
0x1fd: {  	s0 =	stileid.u32;
	[bflag:$0x2] =	sbarrier.arrive $0xFFFF  }
0x1fe: {  	p0 =	sne.s32 s0, $0x0;
	s0 =	rddreg [dreg:$0x4]  }
0x1ff: {  	s0 =	sadd.s32 @!p0 $0x100000, s0  }
0x200: {  	[sflag:s0] =	ssyncadd.tile.s32 @!p0 $0x1;
	_ =	shalt  }
.Lfunc_end2:
_tile_overlayer_lowered:
.L_overlay_start_2:
0x201: {  	(tag) =	ssettag $0x2  }
0x202: {  	s0 =	rddreg [dreg:$0x0];
	s2 =	stileid.u32  }
0x203: {  	s1 =	rddreg [dreg:$0x1];
	p0 =	sne.s32 s2, $0x0  }
0x204: {  	s3 =	rddreg [dreg:$0x2];
	[bflag:$0x3] =	sbarrier.arrive $0xFFFF;
	s2 =	simm.s32 @!p0 $0x1C0A  }
0x205: {  	[timem:s3], [sflag:s2] =	dma.local @!p0 [hbm:s0], s1  }
0x206: {  	s0 =	simm.s32 @!p0 $0xA  }
0x207: {  	_ =	swait.ge @!p0 [sflag:s0], s1  }
0x208: {  	s1 =	ssub.s32 @!p0 $0x0, s1;
	[sflag:s0] =	ssyncset.done @!p0 $0x0  }
0x209: {  	[sflag:s0] =	ssyncadd.s32 @!p0 s1  }
0x20a: {  	[bflag:$0x3] =	sbarrier.arrive $0xFFFF  }
0x20b: {  	_ =	shalt  }

</sc_bundles>
